<compile_context>
chip_gen: v7x
topology: tpu7x:2x2x1
jax: 0.10.2.dev20260603
libtpu: 0.0.44.dev20260713+nightly
codegen_flags: <defaults>
</compile_context>

<pallas_src>
import functools

import jax
import jax.numpy as jnp
from jax import lax
from jax.experimental import pallas as pl
from jax.experimental.pallas import tpu as pltpu
from jax.experimental.pallas import tpu_sc as plsc

NUM_ROWS = 1000000
DIM = 32
LANES = NUM_ROWS
CHUNK = 1536
FULL = 7812 * 128
N_CHUNKS = FULL // CHUNK
PER_W = 21
TAIL = LANES - FULL


def _sc_copy_body(t_hbm, out_hbm, buf0, buf1, tailbuf, is0, is1, os0, os1, ts):
    wid = lax.axis_index("s") * 2 + lax.axis_index("c")
    start = (wid * (N_CHUNKS - PER_W)) // 31
    bufs = (buf0, buf1)
    isems = (is0, is1)
    osems = (os0, os1)

    def lane0(k):
        return pl.multiple_of((start + k) * CHUNK, 128)

    pltpu.async_copy(t_hbm.at[:, pl.ds(lane0(0), CHUNK)], buf0, is0)
    for k in range(PER_W):
        b = k % 2
        pltpu.make_async_copy(
            t_hbm.at[:, pl.ds(lane0(k), CHUNK)], bufs[b], isems[b]
        ).wait()
        if k >= 1:
            pltpu.make_async_copy(
                bufs[1 - b],
                out_hbm.at[:, pl.ds(lane0(k - 1), CHUNK)],
                osems[1 - b],
            ).wait()
        if k + 1 < PER_W:
            pltpu.async_copy(
                t_hbm.at[:, pl.ds(lane0(k + 1), CHUNK)], bufs[1 - b], isems[1 - b]
            )
        pltpu.async_copy(
            bufs[b], out_hbm.at[:, pl.ds(lane0(k), CHUNK)], osems[b]
        )

    @pl.when(wid == 0)
    def _():
        pltpu.make_async_copy(t_hbm.at[:, pl.ds(FULL, TAIL)], tailbuf, ts).start()
        pltpu.make_async_copy(t_hbm.at[:, pl.ds(FULL, TAIL)], tailbuf, ts).wait()
        pltpu.make_async_copy(tailbuf, out_hbm.at[:, pl.ds(FULL, TAIL)], ts).start()
        pltpu.make_async_copy(tailbuf, out_hbm.at[:, pl.ds(FULL, TAIL)], ts).wait()

    lastb = (PER_W - 1) % 2
    pltpu.make_async_copy(
        bufs[lastb],
        out_hbm.at[:, pl.ds(lane0(PER_W - 1), CHUNK)],
        osems[lastb],
    ).wait()


def kernel(table):
    sc_copy = pl.kernel(
        _sc_copy_body,
        mesh=plsc.VectorSubcoreMesh(core_axis_name="c", subcore_axis_name="s"),
        out_type=jax.ShapeDtypeStruct((DIM, LANES), jnp.float32),
        scratch_types=[
            pltpu.VMEM((DIM, CHUNK), jnp.float32),
            pltpu.VMEM((DIM, CHUNK), jnp.float32),
            pltpu.VMEM((DIM, TAIL), jnp.float32),
            pltpu.SemaphoreType.DMA,
            pltpu.SemaphoreType.DMA,
            pltpu.SemaphoreType.DMA,
            pltpu.SemaphoreType.DMA,
            pltpu.SemaphoreType.DMA,
        ],
    )
    return sc_copy(table.T).T

# --- scband reference (transcript-rebuilt; emitter-appended) ---
"""Pipeline reference for scband-embedding-module-74234214744565 (READ-ONLY COPY).

The authoritative reference and input builder live on the scoring server;
editing this copy changes nothing except your own understanding.
"""

import jax, jax.numpy as jnp
import numpy as np

NUM_EMBEDDINGS = 1000000
EMBEDDING_DIM = 32

def setup_inputs(seed: int = 0) -> dict:
    key = jax.random.key(seed)
    table = jax.random.normal(key, (NUM_EMBEDDINGS, EMBEDDING_DIM), dtype=jnp.float32)
    return {"table": table}

def reference(table):
    # forward(): embedding(torch.arange(num_embeddings)) -> gather full table
    idx = jnp.arange(NUM_EMBEDDINGS)
    return jnp.take(table, idx, axis=0)

if __name__ == "__main__":
    import jax
    _d = setup_inputs()
    print(jax.jit(kernel)(*tuple(_d.values())))

</pallas_src>

<mosaic_0001>
#map = affine_map<(d0, d1) -> (0, 0)>
module attributes {stable_mosaic.version = 14 : i64} {
  func.func @_sc_copy_body(%arg0: i32, %arg1: i32, %arg2: memref<32x1000000xf32, #tpu.memory_space<hbm>>, %arg3: memref<32x1000000xf32, #tpu.memory_space<hbm>>, %arg4: memref<32x1536xf32, #tpu.memory_space<vmem>>, %arg5: memref<32x1536xf32, #tpu.memory_space<vmem>>, %arg6: memref<32x64xf32, #tpu.memory_space<vmem>>, %arg7: memref<!tpu.dma_semaphore, #tpu.memory_space<semaphore_mem>>, %arg8: memref<!tpu.dma_semaphore, #tpu.memory_space<semaphore_mem>>, %arg9: memref<!tpu.dma_semaphore, #tpu.memory_space<semaphore_mem>>, %arg10: memref<!tpu.dma_semaphore, #tpu.memory_space<semaphore_mem>>, %arg11: memref<!tpu.dma_semaphore, #tpu.memory_space<semaphore_mem>>) attributes {dimension_semantics = [#tpu.dimension_semantics<core_parallel>, #tpu.dimension_semantics<subcore_parallel>], iteration_bounds = array<i64: 2, 16>, scalar_prefetch = 0 : i64, scratch_operands = 8 : i64, tpu.core_type = #tpu.core_type<sc_vector_subcore>, window_params = [{transform_indices = #map}, {transform_indices = #map}]} {
    %mul3A = arith.constant 2 : i32
    %mul3A_0 = arith.muli %arg1, %mul3A : i32
    %add3A = arith.addi %mul3A_0, %arg0 : i32
    %mul3A_1 = arith.constant 630 : i32
    %mul3A_2 = arith.muli %add3A, %mul3A_1 : i32
    %jit3A = arith.constant 31 : i32
    %div3A = arith.divsi %mul3A_2, %jit3A : i32
    %sign3A = arith.constant 0 : i32
    %sign3A_3 = arith.cmpi sgt, %mul3A_2, %sign3A : i32
    %sign3A_4 = arith.extui %sign3A_3 : i1 to i32
    %sign3A_5 = arith.constant 0 : i32
    %sign3A_6 = arith.cmpi slt, %mul3A_2, %sign3A_5 : i32
    %sign3A_7 = arith.extui %sign3A_6 : i1 to i32
    %sign3A_8 = arith.subi %sign3A_4, %sign3A_7 : i32
    %sign3A_9 = arith.constant 0 : i32
    %sign3A_10 = arith.cmpi sgt, %jit3A, %sign3A_9 : i32
    %sign3A_11 = arith.extui %sign3A_10 : i1 to i32
    %sign3A_12 = arith.constant 0 : i32
    %sign3A_13 = arith.cmpi slt, %jit3A, %sign3A_12 : i32
    %sign3A_14 = arith.extui %sign3A_13 : i1 to i32
    %sign3A_15 = arith.subi %sign3A_11, %sign3A_14 : i32
    %ne3A = arith.cmpi ne, %sign3A_8, %sign3A_15 : i32
    %rem3A = arith.remsi %mul3A_2, %jit3A : i32
    %ne3A_16 = arith.constant 0 : i32
    %ne3A_17 = arith.cmpi ne, %rem3A, %ne3A_16 : i32
    %and3A = arith.andi %ne3A, %ne3A_17 : i1
    %sub3A = arith.constant 1 : i32
    %sub3A_18 = arith.subi %div3A, %sub3A : i32
    %select_n3A = arith.select %and3A, %sub3A_18, %div3A : i32
    %add3A_19 = arith.constant 0 : i32
    %add3A_20 = arith.addi %select_n3A, %add3A_19 : i32
    %mul3A_21 = arith.constant 1536 : i32
    %mul3A_22 = arith.muli %add3A_20, %mul3A_21 : i32
    %multiple_of3A = tpu.assume_multiple %mul3A_22, 128 : i32
    %dma_start3A = arith.constant 0 : i32
    %dma_start3A_23 = tpu.memref_slice %arg2[%dma_start3A, %multiple_of3A] : memref<32x1000000xf32, #tpu.memory_space<hbm>> -> memref<32x1536xf32, #tpu.memory_space<hbm>>
    %dma_start3A_24 = arith.constant 0 : i32
    %dma_start3A_25 = tpu.memref_slice %arg2[%dma_start3A_24, %multiple_of3A] : memref<32x1000000xf32, #tpu.memory_space<hbm>> -> memref<32x1536xf32, #tpu.memory_space<hbm>>
    tpu.enqueue_dma source(%dma_start3A_25 : memref<32x1536xf32, #tpu.memory_space<hbm>>) target(%arg4 : memref<32x1536xf32, #tpu.memory_space<vmem>>) target_semaphore(%arg7 : memref<!tpu.dma_semaphore, #tpu.memory_space<semaphore_mem>>)
    %add3A_26 = arith.constant 0 : i32
    %add3A_27 = arith.addi %select_n3A, %add3A_26 : i32
    %mul3A_28 = arith.constant 1536 : i32
    %mul3A_29 = arith.muli %add3A_27, %mul3A_28 : i32
    %multiple_of3A_30 = tpu.assume_multiple %mul3A_29, 128 : i32
    %dma_wait3A = arith.constant 0 : i32
    %dma_wait3A_31 = tpu.memref_slice %arg2[%dma_wait3A, %multiple_of3A_30] : memref<32x1000000xf32, #tpu.memory_space<hbm>> -> memref<32x1536xf32, #tpu.memory_space<hbm>>
    %dma_wait3A_32 = arith.constant 0 : i32
    %dma_wait3A_33 = tpu.memref_slice %arg2[%dma_wait3A_32, %multiple_of3A_30] : memref<32x1000000xf32, #tpu.memory_space<hbm>> -> memref<32x1536xf32, #tpu.memory_space<hbm>>
    tpu.wait_dma2 semaphore(%arg7 : memref<!tpu.dma_semaphore, #tpu.memory_space<semaphore_mem>>) src(%dma_wait3A_33 : memref<32x1536xf32, #tpu.memory_space<hbm>>) dst(%arg4 : memref<32x1536xf32, #tpu.memory_space<vmem>>)
    %add3A_34 = arith.constant 1 : i32
    %add3A_35 = arith.addi %select_n3A, %add3A_34 : i32
    %mul3A_36 = arith.constant 1536 : i32
    %mul3A_37 = arith.muli %add3A_35, %mul3A_36 : i32
    %multiple_of3A_38 = tpu.assume_multiple %mul3A_37, 128 : i32
    %dma_start3A_39 = arith.constant 0 : i32
    %dma_start3A_40 = tpu.memref_slice %arg2[%dma_start3A_39, %multiple_of3A_38] : memref<32x1000000xf32, #tpu.memory_space<hbm>> -> memref<32x1536xf32, #tpu.memory_space<hbm>>
    %dma_start3A_41 = arith.constant 0 : i32
    %dma_start3A_42 = tpu.memref_slice %arg2[%dma_start3A_41, %multiple_of3A_38] : memref<32x1000000xf32, #tpu.memory_space<hbm>> -> memref<32x1536xf32, #tpu.memory_space<hbm>>
    tpu.enqueue_dma source(%dma_start3A_42 : memref<32x1536xf32, #tpu.memory_space<hbm>>) target(%arg5 : memref<32x1536xf32, #tpu.memory_space<vmem>>) target_semaphore(%arg8 : memref<!tpu.dma_semaphore, #tpu.memory_space<semaphore_mem>>)
    %add3A_43 = arith.constant 0 : i32
    %add3A_44 = arith.addi %select_n3A, %add3A_43 : i32
    %mul3A_45 = arith.constant 1536 : i32
    %mul3A_46 = arith.muli %add3A_44, %mul3A_45 : i32
    %multiple_of3A_47 = tpu.assume_multiple %mul3A_46, 128 : i32
    %dma_start3A_48 = arith.constant 0 : i32
    %dma_start3A_49 = tpu.memref_slice %arg3[%dma_start3A_48, %multiple_of3A_47] : memref<32x1000000xf32, #tpu.memory_space<hbm>> -> memref<32x1536xf32, #tpu.memory_space<hbm>>
    %dma_start3A_50 = arith.constant 0 : i32
    %dma_start3A_51 = tpu.memref_slice %arg3[%dma_start3A_50, %multiple_of3A_47] : memref<32x1000000xf32, #tpu.memory_space<hbm>> -> memref<32x1536xf32, #tpu.memory_space<hbm>>
    tpu.enqueue_dma source(%arg4 : memref<32x1536xf32, #tpu.memory_space<vmem>>) target(%dma_start3A_51 : memref<32x1536xf32, #tpu.memory_space<hbm>>) target_semaphore(%arg9 : memref<!tpu.dma_semaphore, #tpu.memory_space<semaphore_mem>>)
    %add3A_52 = arith.constant 1 : i32
    %add3A_53 = arith.addi %select_n3A, %add3A_52 : i32
    %mul3A_54 = arith.constant 1536 : i32
    %mul3A_55 = arith.muli %add3A_53, %mul3A_54 : i32
    %multiple_of3A_56 = tpu.assume_multiple %mul3A_55, 128 : i32
    %dma_wait3A_57 = arith.constant 0 : i32
    %dma_wait3A_58 = tpu.memref_slice %arg2[%dma_wait3A_57, %multiple_of3A_56] : memref<32x1000000xf32, #tpu.memory_space<hbm>> -> memref<32x1536xf32, #tpu.memory_space<hbm>>
    %dma_wait3A_59 = arith.constant 0 : i32
    %dma_wait3A_60 = tpu.memref_slice %arg2[%dma_wait3A_59, %multiple_of3A_56] : memref<32x1000000xf32, #tpu.memory_space<hbm>> -> memref<32x1536xf32, #tpu.memory_space<hbm>>
    tpu.wait_dma2 semaphore(%arg8 : memref<!tpu.dma_semaphore, #tpu.memory_space<semaphore_mem>>) src(%dma_wait3A_60 : memref<32x1536xf32, #tpu.memory_space<hbm>>) dst(%arg5 : memref<32x1536xf32, #tpu.memory_space<vmem>>)
    %add3A_61 = arith.constant 0 : i32
    %add3A_62 = arith.addi %select_n3A, %add3A_61 : i32
    %mul3A_63 = arith.constant 1536 : i32
    %mul3A_64 = arith.muli %add3A_62, %mul3A_63 : i32
    %multiple_of3A_65 = tpu.assume_multiple %mul3A_64, 128 : i32
    %dma_wait3A_66 = arith.constant 0 : i32
    %dma_wait3A_67 = tpu.memref_slice %arg3[%dma_wait3A_66, %multiple_of3A_65] : memref<32x1000000xf32, #tpu.memory_space<hbm>> -> memref<32x1536xf32, #tpu.memory_space<hbm>>
    %dma_wait3A_68 = arith.constant 0 : i32
    %dma_wait3A_69 = tpu.memref_slice %arg3[%dma_wait3A_68, %multiple_of3A_65] : memref<32x1000000xf32, #tpu.memory_space<hbm>> -> memref<32x1536xf32, #tpu.memory_space<hbm>>
    tpu.wait_dma2 semaphore(%arg9 : memref<!tpu.dma_semaphore, #tpu.memory_space<semaphore_mem>>) src(%arg4 : memref<32x1536xf32, #tpu.memory_space<vmem>>) dst(%dma_wait3A_69 : memref<32x1536xf32, #tpu.memory_space<hbm>>)
    %add3A_70 = arith.constant 2 : i32
    %add3A_71 = arith.addi %select_n3A, %add3A_70 : i32
    %mul3A_72 = arith.constant 1536 : i32
    %mul3A_73 = arith.muli %add3A_71, %mul3A_72 : i32
    %multiple_of3A_74 = tpu.assume_multiple %mul3A_73, 128 : i32
    %dma_start3A_75 = arith.constant 0 : i32
    %dma_start3A_76 = tpu.memref_slice %arg2[%dma_start3A_75, %multiple_of3A_74] : memref<32x1000000xf32, #tpu.memory_space<hbm>> -> memref<32x1536xf32, #tpu.memory_space<hbm>>
    %dma_start3A_77 = arith.constant 0 : i32
    %dma_start3A_78 = tpu.memref_slice %arg2[%dma_start3A_77, %multiple_of3A_74] : memref<32x1000000xf32, #tpu.memory_space<hbm>> -> memref<32x1536xf32, #tpu.memory_space<hbm>>
    tpu.enqueue_dma source(%dma_start3A_78 : memref<32x1536xf32, #tpu.memory_space<hbm>>) target(%arg4 : memref<32x1536xf32, #tpu.memory_space<vmem>>) target_semaphore(%arg7 : memref<!tpu.dma_semaphore, #tpu.memory_space<semaphore_mem>>)
    %add3A_79 = arith.constant 1 : i32
    %add3A_80 = arith.addi %select_n3A, %add3A_79 : i32
    %mul3A_81 = arith.constant 1536 : i32
    %mul3A_82 = arith.muli %add3A_80, %mul3A_81 : i32
    %multiple_of3A_83 = tpu.assume_multiple %mul3A_82, 128 : i32
    %dma_start3A_84 = arith.constant 0 : i32
    %dma_start3A_85 = tpu.memref_slice %arg3[%dma_start3A_84, %multiple_of3A_83] : memref<32x1000000xf32, #tpu.memory_space<hbm>> -> memref<32x1536xf32, #tpu.memory_space<hbm>>
    %dma_start3A_86 = arith.constant 0 : i32
    %dma_start3A_87 = tpu.memref_slice %arg3[%dma_start3A_86, %multiple_of3A_83] : memref<32x1000000xf32, #tpu.memory_space<hbm>> -> memref<32x1536xf32, #tpu.memory_space<hbm>>
    tpu.enqueue_dma source(%arg5 : memref<32x1536xf32, #tpu.memory_space<vmem>>) target(%dma_start3A_87 : memref<32x1536xf32, #tpu.memory_space<hbm>>) target_semaphore(%arg10 : memref<!tpu.dma_semaphore, #tpu.memory_space<semaphore_mem>>)
    %add3A_88 = arith.constant 2 : i32
    %add3A_89 = arith.addi %select_n3A, %add3A_88 : i32
    %mul3A_90 = arith.constant 1536 : i32
    %mul3A_91 = arith.muli %add3A_89, %mul3A_90 : i32
    %multiple_of3A_92 = tpu.assume_multiple %mul3A_91, 128 : i32
    %dma_wait3A_93 = arith.constant 0 : i32
    %dma_wait3A_94 = tpu.memref_slice %arg2[%dma_wait3A_93, %multiple_of3A_92] : memref<32x1000000xf32, #tpu.memory_space<hbm>> -> memref<32x1536xf32, #tpu.memory_space<hbm>>
    %dma_wait3A_95 = arith.constant 0 : i32
    %dma_wait3A_96 = tpu.memref_slice %arg2[%dma_wait3A_95, %multiple_of3A_92] : memref<32x1000000xf32, #tpu.memory_space<hbm>> -> memref<32x1536xf32, #tpu.memory_space<hbm>>
    tpu.wait_dma2 semaphore(%arg7 : memref<!tpu.dma_semaphore, #tpu.memory_space<semaphore_mem>>) src(%dma_wait3A_96 : memref<32x1536xf32, #tpu.memory_space<hbm>>) dst(%arg4 : memref<32x1536xf32, #tpu.memory_space<vmem>>)
    %add3A_97 = arith.constant 1 : i32
    %add3A_98 = arith.addi %select_n3A, %add3A_97 : i32
    %mul3A_99 = arith.constant 1536 : i32
    %mul3A_100 = arith.muli %add3A_98, %mul3A_99 : i32
    %multiple_of3A_101 = tpu.assume_multiple %mul3A_100, 128 : i32
    %dma_wait3A_102 = arith.constant 0 : i32
    %dma_wait3A_103 = tpu.memref_slice %arg3[%dma_wait3A_102, %multiple_of3A_101] : memref<32x1000000xf32, #tpu.memory_space<hbm>> -> memref<32x1536xf32, #tpu.memory_space<hbm>>
    %dma_wait3A_104 = arith.constant 0 : i32
    %dma_wait3A_105 = tpu.memref_slice %arg3[%dma_wait3A_104, %multiple_of3A_101] : memref<32x1000000xf32, #tpu.memory_space<hbm>> -> memref<32x1536xf32, #tpu.memory_space<hbm>>
    tpu.wait_dma2 semaphore(%arg10 : memref<!tpu.dma_semaphore, #tpu.memory_space<semaphore_mem>>) src(%arg5 : memref<32x1536xf32, #tpu.memory_space<vmem>>) dst(%dma_wait3A_105 : memref<32x1536xf32, #tpu.memory_space<hbm>>)
    %add3A_106 = arith.constant 3 : i32
    %add3A_107 = arith.addi %select_n3A, %add3A_106 : i32
    %mul3A_108 = arith.constant 1536 : i32
    %mul3A_109 = arith.muli %add3A_107, %mul3A_108 : i32
    %multiple_of3A_110 = tpu.assume_multiple %mul3A_109, 128 : i32
    %dma_start3A_111 = arith.constant 0 : i32
    %dma_start3A_112 = tpu.memref_slice %arg2[%dma_start3A_111, %multiple_of3A_110] : memref<32x1000000xf32, #tpu.memory_space<hbm>> -> memref<32x1536xf32, #tpu.memory_space<hbm>>
    %dma_start3A_113 = arith.constant 0 : i32
    %dma_start3A_114 = tpu.memref_slice %arg2[%dma_start3A_113, %multiple_of3A_110] : memref<32x1000000xf32, #tpu.memory_space<hbm>> -> memref<32x1536xf32, #tpu.memory_space<hbm>>
    tpu.enqueue_dma source(%dma_start3A_114 : memref<32x1536xf32, #tpu.memory_space<hbm>>) target(%arg5 : memref<32x1536xf32, #tpu.memory_space<vmem>>) target_semaphore(%arg8 : memref<!tpu.dma_semaphore, #tpu.memory_space<semaphore_mem>>)
    %add3A_115 = arith.constant 2 : i32
    %add3A_116 = arith.addi %select_n3A, %add3A_115 : i32
    %mul3A_117 = arith.constant 1536 : i32
    %mul3A_118 = arith.muli %add3A_116, %mul3A_117 : i32
    %multiple_of3A_119 = tpu.assume_multiple %mul3A_118, 128 : i32
    %dma_start3A_120 = arith.constant 0 : i32
    %dma_start3A_121 = tpu.memref_slice %arg3[%dma_start3A_120, %multiple_of3A_119] : memref<32x1000000xf32, #tpu.memory_space<hbm>> -> memref<32x1536xf32, #tpu.memory_space<hbm>>
    %dma_start3A_122 = arith.constant 0 : i32
    %dma_start3A_123 = tpu.memref_slice %arg3[%dma_start3A_122, %multiple_of3A_119] : memref<32x1000000xf32, #tpu.memory_space<hbm>> -> memref<32x1536xf32, #tpu.memory_space<hbm>>
    tpu.enqueue_dma source(%arg4 : memref<32x1536xf32, #tpu.memory_space<vmem>>) target(%dma_start3A_123 : memref<32x1536xf32, #tpu.memory_space<hbm>>) target_semaphore(%arg9 : memref<!tpu.dma_semaphore, #tpu.memory_space<semaphore_mem>>)
    %add3A_124 = arith.constant 3 : i32
    %add3A_125 = arith.addi %select_n3A, %add3A_124 : i32
    %mul3A_126 = arith.constant 1536 : i32
    %mul3A_127 = arith.muli %add3A_125, %mul3A_126 : i32
    %multiple_of3A_128 = tpu.assume_multiple %mul3A_127, 128 : i32
    %dma_wait3A_129 = arith.constant 0 : i32
    %dma_wait3A_130 = tpu.memref_slice %arg2[%dma_wait3A_129, %multiple_of3A_128] : memref<32x1000000xf32, #tpu.memory_space<hbm>> -> memref<32x1536xf32, #tpu.memory_space<hbm>>
    %dma_wait3A_131 = arith.constant 0 : i32
    %dma_wait3A_132 = tpu.memref_slice %arg2[%dma_wait3A_131, %multiple_of3A_128] : memref<32x1000000xf32, #tpu.memory_space<hbm>> -> memref<32x1536xf32, #tpu.memory_space<hbm>>
    tpu.wait_dma2 semaphore(%arg8 : memref<!tpu.dma_semaphore, #tpu.memory_space<semaphore_mem>>) src(%dma_wait3A_132 : memref<32x1536xf32, #tpu.memory_space<hbm>>) dst(%arg5 : memref<32x1536xf32, #tpu.memory_space<vmem>>)
    %add3A_133 = arith.constant 2 : i32
    %add3A_134 = arith.addi %select_n3A, %add3A_133 : i32
    %mul3A_135 = arith.constant 1536 : i32
    %mul3A_136 = arith.muli %add3A_134, %mul3A_135 : i32
    %multiple_of3A_137 = tpu.assume_multiple %mul3A_136, 128 : i32
    %dma_wait3A_138 = arith.constant 0 : i32
    %dma_wait3A_139 = tpu.memref_slice %arg3[%dma_wait3A_138, %multiple_of3A_137] : memref<32x1000000xf32, #tpu.memory_space<hbm>> -> memref<32x1536xf32, #tpu.memory_space<hbm>>
    %dma_wait3A_140 = arith.constant 0 : i32
    %dma_wait3A_141 = tpu.memref_slice %arg3[%dma_wait3A_140, %multiple_of3A_137] : memref<32x1000000xf32, #tpu.memory_space<hbm>> -> memref<32x1536xf32, #tpu.memory_space<hbm>>
    tpu.wait_dma2 semaphore(%arg9 : memref<!tpu.dma_semaphore, #tpu.memory_space<semaphore_mem>>) src(%arg4 : memref<32x1536xf32, #tpu.memory_space<vmem>>) dst(%dma_wait3A_141 : memref<32x1536xf32, #tpu.memory_space<hbm>>)
    %add3A_142 = arith.constant 4 : i32
    %add3A_143 = arith.addi %select_n3A, %add3A_142 : i32
    %mul3A_144 = arith.constant 1536 : i32
    %mul3A_145 = arith.muli %add3A_143, %mul3A_144 : i32
    %multiple_of3A_146 = tpu.assume_multiple %mul3A_145, 128 : i32
    %dma_start3A_147 = arith.constant 0 : i32
    %dma_start3A_148 = tpu.memref_slice %arg2[%dma_start3A_147, %multiple_of3A_146] : memref<32x1000000xf32, #tpu.memory_space<hbm>> -> memref<32x1536xf32, #tpu.memory_space<hbm>>
    %dma_start3A_149 = arith.constant 0 : i32
    %dma_start3A_150 = tpu.memref_slice %arg2[%dma_start3A_149, %multiple_of3A_146] : memref<32x1000000xf32, #tpu.memory_space<hbm>> -> memref<32x1536xf32, #tpu.memory_space<hbm>>
    tpu.enqueue_dma source(%dma_start3A_150 : memref<32x1536xf32, #tpu.memory_space<hbm>>) target(%arg4 : memref<32x1536xf32, #tpu.memory_space<vmem>>) target_semaphore(%arg7 : memref<!tpu.dma_semaphore, #tpu.memory_space<semaphore_mem>>)
    %add3A_151 = arith.constant 3 : i32
    %add3A_152 = arith.addi %select_n3A, %add3A_151 : i32
    %mul3A_153 = arith.constant 1536 : i32
    %mul3A_154 = arith.muli %add3A_152, %mul3A_153 : i32
    %multiple_of3A_155 = tpu.assume_multiple %mul3A_154, 128 : i32
    %dma_start3A_156 = arith.constant 0 : i32
    %dma_start3A_157 = tpu.memref_slice %arg3[%dma_start3A_156, %multiple_of3A_155] : memref<32x1000000xf32, #tpu.memory_space<hbm>> -> memref<32x1536xf32, #tpu.memory_space<hbm>>
    %dma_start3A_158 = arith.constant 0 : i32
    %dma_start3A_159 = tpu.memref_slice %arg3[%dma_start3A_158, %multiple_of3A_155] : memref<32x1000000xf32, #tpu.memory_space<hbm>> -> memref<32x1536xf32, #tpu.memory_space<hbm>>
    tpu.enqueue_dma source(%arg5 : memref<32x1536xf32, #tpu.memory_space<vmem>>) target(%dma_start3A_159 : memref<32x1536xf32, #tpu.memory_space<hbm>>) target_semaphore(%arg10 : memref<!tpu.dma_semaphore, #tpu.memory_space<semaphore_mem>>)
    %add3A_160 = arith.constant 4 : i32
    %add3A_161 = arith.addi %select_n3A, %add3A_160 : i32
    %mul3A_162 = arith.constant 1536 : i32
    %mul3A_163 = arith.muli %add3A_161, %mul3A_162 : i32
    %multiple_of3A_164 = tpu.assume_multiple %mul3A_163, 128 : i32
    %dma_wait3A_165 = arith.constant 0 : i32
    %dma_wait3A_166 = tpu.memref_slice %arg2[%dma_wait3A_165, %multiple_of3A_164] : memref<32x1000000xf32, #tpu.memory_space<hbm>> -> memref<32x1536xf32, #tpu.memory_space<hbm>>
    %dma_wait3A_167 = arith.constant 0 : i32
    %dma_wait3A_168 = tpu.memref_slice %arg2[%dma_wait3A_167, %multiple_of3A_164] : memref<32x1000000xf32, #tpu.memory_space<hbm>> -> memref<32x1536xf32, #tpu.memory_space<hbm>>
    tpu.wait_dma2 semaphore(%arg7 : memref<!tpu.dma_semaphore, #tpu.memory_space<semaphore_mem>>) src(%dma_wait3A_168 : memref<32x1536xf32, #tpu.memory_space<hbm>>) dst(%arg4 : memref<32x1536xf32, #tpu.memory_space<vmem>>)
    %add3A_169 = arith.constant 3 : i32
    %add3A_170 = arith.addi %select_n3A, %add3A_169 : i32
    %mul3A_171 = arith.constant 1536 : i32
    %mul3A_172 = arith.muli %add3A_170, %mul3A_171 : i32
    %multiple_of3A_173 = tpu.assume_multiple %mul3A_172, 128 : i32
    %dma_wait3A_174 = arith.constant 0 : i32
    %dma_wait3A_175 = tpu.memref_slice %arg3[%dma_wait3A_174, %multiple_of3A_173] : memref<32x1000000xf32, #tpu.memory_space<hbm>> -> memref<32x1536xf32, #tpu.memory_space<hbm>>
    %dma_wait3A_176 = arith.constant 0 : i32
    %dma_wait3A_177 = tpu.memref_slice %arg3[%dma_wait3A_176, %multiple_of3A_173] : memref<32x1000000xf32, #tpu.memory_space<hbm>> -> memref<32x1536xf32, #tpu.memory_space<hbm>>
    tpu.wait_dma2 semaphore(%arg10 : memref<!tpu.dma_semaphore, #tpu.memory_space<semaphore_mem>>) src(%arg5 : memref<32x1536xf32, #tpu.memory_space<vmem>>) dst(%dma_wait3A_177 : memref<32x1536xf32, #tpu.memory_space<hbm>>)
    %add3A_178 = arith.constant 5 : i32
    %add3A_179 = arith.addi %select_n3A, %add3A_178 : i32
    %mul3A_180 = arith.constant 1536 : i32
    %mul3A_181 = arith.muli %add3A_179, %mul3A_180 : i32
    %multiple_of3A_182 = tpu.assume_multiple %mul3A_181, 128 : i32
    %dma_start3A_183 = arith.constant 0 : i32
    %dma_start3A_184 = tpu.memref_slice %arg2[%dma_start3A_183, %multiple_of3A_182] : memref<32x1000000xf32, #tpu.memory_space<hbm>> -> memref<32x1536xf32, #tpu.memory_space<hbm>>
    %dma_start3A_185 = arith.constant 0 : i32
    %dma_start3A_186 = tpu.memref_slice %arg2[%dma_start3A_185, %multiple_of3A_182] : memref<32x1000000xf32, #tpu.memory_space<hbm>> -> memref<32x1536xf32, #tpu.memory_space<hbm>>
    tpu.enqueue_dma source(%dma_start3A_186 : memref<32x1536xf32, #tpu.memory_space<hbm>>) target(%arg5 : memref<32x1536xf32, #tpu.memory_space<vmem>>) target_semaphore(%arg8 : memref<!tpu.dma_semaphore, #tpu.memory_space<semaphore_mem>>)
    %add3A_187 = arith.constant 4 : i32
    %add3A_188 = arith.addi %select_n3A, %add3A_187 : i32
    %mul3A_189 = arith.constant 1536 : i32
    %mul3A_190 = arith.muli %add3A_188, %mul3A_189 : i32
    %multiple_of3A_191 = tpu.assume_multiple %mul3A_190, 128 : i32
    %dma_start3A_192 = arith.constant 0 : i32
    %dma_start3A_193 = tpu.memref_slice %arg3[%dma_start3A_192, %multiple_of3A_191] : memref<32x1000000xf32, #tpu.memory_space<hbm>> -> memref<32x1536xf32, #tpu.memory_space<hbm>>
    %dma_start3A_194 = arith.constant 0 : i32
    %dma_start3A_195 = tpu.memref_slice %arg3[%dma_start3A_194, %multiple_of3A_191] : memref<32x1000000xf32, #tpu.memory_space<hbm>> -> memref<32x1536xf32, #tpu.memory_space<hbm>>
    tpu.enqueue_dma source(%arg4 : memref<32x1536xf32, #tpu.memory_space<vmem>>) target(%dma_start3A_195 : memref<32x1536xf32, #tpu.memory_space<hbm>>) target_semaphore(%arg9 : memref<!tpu.dma_semaphore, #tpu.memory_space<semaphore_mem>>)
    %add3A_196 = arith.constant 5 : i32
    %add3A_197 = arith.addi %select_n3A, %add3A_196 : i32
    %mul3A_198 = arith.constant 1536 : i32
    %mul3A_199 = arith.muli %add3A_197, %mul3A_198 : i32
    %multiple_of3A_200 = tpu.assume_multiple %mul3A_199, 128 : i32
    %dma_wait3A_201 = arith.constant 0 : i32
    %dma_wait3A_202 = tpu.memref_slice %arg2[%dma_wait3A_201, %multiple_of3A_200] : memref<32x1000000xf32, #tpu.memory_space<hbm>> -> memref<32x1536xf32, #tpu.memory_space<hbm>>
    %dma_wait3A_203 = arith.constant 0 : i32
    %dma_wait3A_204 = tpu.memref_slice %arg2[%dma_wait3A_203, %multiple_of3A_200] : memref<32x1000000xf32, #tpu.memory_space<hbm>> -> memref<32x1536xf32, #tpu.memory_space<hbm>>
    tpu.wait_dma2 semaphore(%arg8 : memref<!tpu.dma_semaphore, #tpu.memory_space<semaphore_mem>>) src(%dma_wait3A_204 : memref<32x1536xf32, #tpu.memory_space<hbm>>) dst(%arg5 : memref<32x1536xf32, #tpu.memory_space<vmem>>)
    %add3A_205 = arith.constant 4 : i32
    %add3A_206 = arith.addi %select_n3A, %add3A_205 : i32
    %mul3A_207 = arith.constant 1536 : i32
    %mul3A_208 = arith.muli %add3A_206, %mul3A_207 : i32
    %multiple_of3A_209 = tpu.assume_multiple %mul3A_208, 128 : i32
    %dma_wait3A_210 = arith.constant 0 : i32
    %dma_wait3A_211 = tpu.memref_slice %arg3[%dma_wait3A_210, %multiple_of3A_209] : memref<32x1000000xf32, #tpu.memory_space<hbm>> -> memref<32x1536xf32, #tpu.memory_space<hbm>>
    %dma_wait3A_212 = arith.constant 0 : i32
    %dma_wait3A_213 = tpu.memref_slice %arg3[%dma_wait3A_212, %multiple_of3A_209] : memref<32x1000000xf32, #tpu.memory_space<hbm>> -> memref<32x1536xf32, #tpu.memory_space<hbm>>
    tpu.wait_dma2 semaphore(%arg9 : memref<!tpu.dma_semaphore, #tpu.memory_space<semaphore_mem>>) src(%arg4 : memref<32x1536xf32, #tpu.memory_space<vmem>>) dst(%dma_wait3A_213 : memref<32x1536xf32, #tpu.memory_space<hbm>>)
    %add3A_214 = arith.constant 6 : i32
    %add3A_215 = arith.addi %select_n3A, %add3A_214 : i32
    %mul3A_216 = arith.constant 1536 : i32
    %mul3A_217 = arith.muli %add3A_215, %mul3A_216 : i32
    %multiple_of3A_218 = tpu.assume_multiple %mul3A_217, 128 : i32
    %dma_start3A_219 = arith.constant 0 : i32
    %dma_start3A_220 = tpu.memref_slice %arg2[%dma_start3A_219, %multiple_of3A_218] : memref<32x1000000xf32, #tpu.memory_space<hbm>> -> memref<32x1536xf32, #tpu.memory_space<hbm>>
    %dma_start3A_221 = arith.constant 0 : i32
    %dma_start3A_222 = tpu.memref_slice %arg2[%dma_start3A_221, %multiple_of3A_218] : memref<32x1000000xf32, #tpu.memory_space<hbm>> -> memref<32x1536xf32, #tpu.memory_space<hbm>>
    tpu.enqueue_dma source(%dma_start3A_222 : memref<32x1536xf32, #tpu.memory_space<hbm>>) target(%arg4 : memref<32x1536xf32, #tpu.memory_space<vmem>>) target_semaphore(%arg7 : memref<!tpu.dma_semaphore, #tpu.memory_space<semaphore_mem>>)
    %add3A_223 = arith.constant 5 : i32
    %add3A_224 = arith.addi %select_n3A, %add3A_223 : i32
    %mul3A_225 = arith.constant 1536 : i32
    %mul3A_226 = arith.muli %add3A_224, %mul3A_225 : i32
    %multiple_of3A_227 = tpu.assume_multiple %mul3A_226, 128 : i32
    %dma_start3A_228 = arith.constant 0 : i32
    %dma_start3A_229 = tpu.memref_slice %arg3[%dma_start3A_228, %multiple_of3A_227] : memref<32x1000000xf32, #tpu.memory_space<hbm>> -> memref<32x1536xf32, #tpu.memory_space<hbm>>
    %dma_start3A_230 = arith.constant 0 : i32
    %dma_start3A_231 = tpu.memref_slice %arg3[%dma_start3A_230, %multiple_of3A_227] : memref<32x1000000xf32, #tpu.memory_space<hbm>> -> memref<32x1536xf32, #tpu.memory_space<hbm>>
    tpu.enqueue_dma source(%arg5 : memref<32x1536xf32, #tpu.memory_space<vmem>>) target(%dma_start3A_231 : memref<32x1536xf32, #tpu.memory_space<hbm>>) target_semaphore(%arg10 : memref<!tpu.dma_semaphore, #tpu.memory_space<semaphore_mem>>)
    %add3A_232 = arith.constant 6 : i32
    %add3A_233 = arith.addi %select_n3A, %add3A_232 : i32
    %mul3A_234 = arith.constant 1536 : i32
    %mul3A_235 = arith.muli %add3A_233, %mul3A_234 : i32
    %multiple_of3A_236 = tpu.assume_multiple %mul3A_235, 128 : i32
    %dma_wait3A_237 = arith.constant 0 : i32
    %dma_wait3A_238 = tpu.memref_slice %arg2[%dma_wait3A_237, %multiple_of3A_236] : memref<32x1000000xf32, #tpu.memory_space<hbm>> -> memref<32x1536xf32, #tpu.memory_space<hbm>>
    %dma_wait3A_239 = arith.constant 0 : i32
    %dma_wait3A_240 = tpu.memref_slice %arg2[%dma_wait3A_239, %multiple_of3A_236] : memref<32x1000000xf32, #tpu.memory_space<hbm>> -> memref<32x1536xf32, #tpu.memory_space<hbm>>
    tpu.wait_dma2 semaphore(%arg7 : memref<!tpu.dma_semaphore, #tpu.memory_space<semaphore_mem>>) src(%dma_wait3A_240 : memref<32x1536xf32, #tpu.memory_space<hbm>>) dst(%arg4 : memref<32x1536xf32, #tpu.memory_space<vmem>>)
    %add3A_241 = arith.constant 5 : i32
    %add3A_242 = arith.addi %select_n3A, %add3A_241 : i32
    %mul3A_243 = arith.constant 1536 : i32
    %mul3A_244 = arith.muli %add3A_242, %mul3A_243 : i32
    %multiple_of3A_245 = tpu.assume_multiple %mul3A_244, 128 : i32
    %dma_wait3A_246 = arith.constant 0 : i32
    %dma_wait3A_247 = tpu.memref_slice %arg3[%dma_wait3A_246, %multiple_of3A_245] : memref<32x1000000xf32, #tpu.memory_space<hbm>> -> memref<32x1536xf32, #tpu.memory_space<hbm>>
    %dma_wait3A_248 = arith.constant 0 : i32
    %dma_wait3A_249 = tpu.memref_slice %arg3[%dma_wait3A_248, %multiple_of3A_245] : memref<32x1000000xf32, #tpu.memory_space<hbm>> -> memref<32x1536xf32, #tpu.memory_space<hbm>>
    tpu.wait_dma2 semaphore(%arg10 : memref<!tpu.dma_semaphore, #tpu.memory_space<semaphore_mem>>) src(%arg5 : memref<32x1536xf32, #tpu.memory_space<vmem>>) dst(%dma_wait3A_249 : memref<32x1536xf32, #tpu.memory_space<hbm>>)
    %add3A_250 = arith.constant 7 : i32
    %add3A_251 = arith.addi %select_n3A, %add3A_250 : i32
    %mul3A_252 = arith.constant 1536 : i32
    %mul3A_253 = arith.muli %add3A_251, %mul3A_252 : i32
    %multiple_of3A_254 = tpu.assume_multiple %mul3A_253, 128 : i32
    %dma_start3A_255 = arith.constant 0 : i32
    %dma_start3A_256 = tpu.memref_slice %arg2[%dma_start3A_255, %multiple_of3A_254] : memref<32x1000000xf32, #tpu.memory_space<hbm>> -> memref<32x1536xf32, #tpu.memory_space<hbm>>
    %dma_start3A_257 = arith.constant 0 : i32
    %dma_start3A_258 = tpu.memref_slice %arg2[%dma_start3A_257, %multiple_of3A_254] : memref<32x1000000xf32, #tpu.memory_space<hbm>> -> memref<32x1536xf32, #tpu.memory_space<hbm>>
    tpu.enqueue_dma source(%dma_start3A_258 : memref<32x1536xf32, #tpu.memory_space<hbm>>) target(%arg5 : memref<32x1536xf32, #tpu.memory_space<vmem>>) target_semaphore(%arg8 : memref<!tpu.dma_semaphore, #tpu.memory_space<semaphore_mem>>)
    %add3A_259 = arith.constant 6 : i32
    %add3A_260 = arith.addi %select_n3A, %add3A_259 : i32
    %mul3A_261 = arith.constant 1536 : i32
    %mul3A_262 = arith.muli %add3A_260, %mul3A_261 : i32
    %multiple_of3A_263 = tpu.assume_multiple %mul3A_262, 128 : i32
    %dma_start3A_264 = arith.constant 0 : i32
    %dma_start3A_265 = tpu.memref_slice %arg3[%dma_start3A_264, %multiple_of3A_263] : memref<32x1000000xf32, #tpu.memory_space<hbm>> -> memref<32x1536xf32, #tpu.memory_space<hbm>>
    %dma_start3A_266 = arith.constant 0 : i32
    %dma_start3A_267 = tpu.memref_slice %arg3[%dma_start3A_266, %multiple_of3A_263] : memref<32x1000000xf32, #tpu.memory_space<hbm>> -> memref<32x1536xf32, #tpu.memory_space<hbm>>
    tpu.enqueue_dma source(%arg4 : memref<32x1536xf32, #tpu.memory_space<vmem>>) target(%dma_start3A_267 : memref<32x1536xf32, #tpu.memory_space<hbm>>) target_semaphore(%arg9 : memref<!tpu.dma_semaphore, #tpu.memory_space<semaphore_mem>>)
    %add3A_268 = arith.constant 7 : i32
    %add3A_269 = arith.addi %select_n3A, %add3A_268 : i32
    %mul3A_270 = arith.constant 1536 : i32
    %mul3A_271 = arith.muli %add3A_269, %mul3A_270 : i32
    %multiple_of3A_272 = tpu.assume_multiple %mul3A_271, 128 : i32
    %dma_wait3A_273 = arith.constant 0 : i32
    %dma_wait3A_274 = tpu.memref_slice %arg2[%dma_wait3A_273, %multiple_of3A_272] : memref<32x1000000xf32, #tpu.memory_space<hbm>> -> memref<32x1536xf32, #tpu.memory_space<hbm>>
    %dma_wait3A_275 = arith.constant 0 : i32
    %dma_wait3A_276 = tpu.memref_slice %arg2[%dma_wait3A_275, %multiple_of3A_272] : memref<32x1000000xf32, #tpu.memory_space<hbm>> -> memref<32x1536xf32, #tpu.memory_space<hbm>>
    tpu.wait_dma2 semaphore(%arg8 : memref<!tpu.dma_semaphore, #tpu.memory_space<semaphore_mem>>) src(%dma_wait3A_276 : memref<32x1536xf32, #tpu.memory_space<hbm>>) dst(%arg5 : memref<32x1536xf32, #tpu.memory_space<vmem>>)
    %add3A_277 = arith.constant 6 : i32
    %add3A_278 = arith.addi %select_n3A, %add3A_277 : i32
    %mul3A_279 = arith.constant 1536 : i32
    %mul3A_280 = arith.muli %add3A_278, %mul3A_279 : i32
    %multiple_of3A_281 = tpu.assume_multiple %mul3A_280, 128 : i32
    %dma_wait3A_282 = arith.constant 0 : i32
    %dma_wait3A_283 = tpu.memref_slice %arg3[%dma_wait3A_282, %multiple_of3A_281] : memref<32x1000000xf32, #tpu.memory_space<hbm>> -> memref<32x1536xf32, #tpu.memory_space<hbm>>
    %dma_wait3A_284 = arith.constant 0 : i32
    %dma_wait3A_285 = tpu.memref_slice %arg3[%dma_wait3A_284, %multiple_of3A_281] : memref<32x1000000xf32, #tpu.memory_space<hbm>> -> memref<32x1536xf32, #tpu.memory_space<hbm>>
    tpu.wait_dma2 semaphore(%arg9 : memref<!tpu.dma_semaphore, #tpu.memory_space<semaphore_mem>>) src(%arg4 : memref<32x1536xf32, #tpu.memory_space<vmem>>) dst(%dma_wait3A_285 : memref<32x1536xf32, #tpu.memory_space<hbm>>)
    %add3A_286 = arith.constant 8 : i32
    %add3A_287 = arith.addi %select_n3A, %add3A_286 : i32
    %mul3A_288 = arith.constant 1536 : i32
    %mul3A_289 = arith.muli %add3A_287, %mul3A_288 : i32
    %multiple_of3A_290 = tpu.assume_multiple %mul3A_289, 128 : i32
    %dma_start3A_291 = arith.constant 0 : i32
    %dma_start3A_292 = tpu.memref_slice %arg2[%dma_start3A_291, %multiple_of3A_290] : memref<32x1000000xf32, #tpu.memory_space<hbm>> -> memref<32x1536xf32, #tpu.memory_space<hbm>>
    %dma_start3A_293 = arith.constant 0 : i32
    %dma_start3A_294 = tpu.memref_slice %arg2[%dma_start3A_293, %multiple_of3A_290] : memref<32x1000000xf32, #tpu.memory_space<hbm>> -> memref<32x1536xf32, #tpu.memory_space<hbm>>
    tpu.enqueue_dma source(%dma_start3A_294 : memref<32x1536xf32, #tpu.memory_space<hbm>>) target(%arg4 : memref<32x1536xf32, #tpu.memory_space<vmem>>) target_semaphore(%arg7 : memref<!tpu.dma_semaphore, #tpu.memory_space<semaphore_mem>>)
    %add3A_295 = arith.constant 7 : i32
    %add3A_296 = arith.addi %select_n3A, %add3A_295 : i32
    %mul3A_297 = arith.constant 1536 : i32
    %mul3A_298 = arith.muli %add3A_296, %mul3A_297 : i32
    %multiple_of3A_299 = tpu.assume_multiple %mul3A_298, 128 : i32
    %dma_start3A_300 = arith.constant 0 : i32
    %dma_start3A_301 = tpu.memref_slice %arg3[%dma_start3A_300, %multiple_of3A_299] : memref<32x1000000xf32, #tpu.memory_space<hbm>> -> memref<32x1536xf32, #tpu.memory_space<hbm>>
    %dma_start3A_302 = arith.constant 0 : i32
    %dma_start3A_303 = tpu.memref_slice %arg3[%dma_start3A_302, %multiple_of3A_299] : memref<32x1000000xf32, #tpu.memory_space<hbm>> -> memref<32x1536xf32, #tpu.memory_space<hbm>>
    tpu.enqueue_dma source(%arg5 : memref<32x1536xf32, #tpu.memory_space<vmem>>) target(%dma_start3A_303 : memref<32x1536xf32, #tpu.memory_space<hbm>>) target_semaphore(%arg10 : memref<!tpu.dma_semaphore, #tpu.memory_space<semaphore_mem>>)
    %add3A_304 = arith.constant 8 : i32
    %add3A_305 = arith.addi %select_n3A, %add3A_304 : i32
    %mul3A_306 = arith.constant 1536 : i32
    %mul3A_307 = arith.muli %add3A_305, %mul3A_306 : i32
    %multiple_of3A_308 = tpu.assume_multiple %mul3A_307, 128 : i32
    %dma_wait3A_309 = arith.constant 0 : i32
    %dma_wait3A_310 = tpu.memref_slice %arg2[%dma_wait3A_309, %multiple_of3A_308] : memref<32x1000000xf32, #tpu.memory_space<hbm>> -> memref<32x1536xf32, #tpu.memory_space<hbm>>
    %dma_wait3A_311 = arith.constant 0 : i32
    %dma_wait3A_312 = tpu.memref_slice %arg2[%dma_wait3A_311, %multiple_of3A_308] : memref<32x1000000xf32, #tpu.memory_space<hbm>> -> memref<32x1536xf32, #tpu.memory_space<hbm>>
    tpu.wait_dma2 semaphore(%arg7 : memref<!tpu.dma_semaphore, #tpu.memory_space<semaphore_mem>>) src(%dma_wait3A_312 : memref<32x1536xf32, #tpu.memory_space<hbm>>) dst(%arg4 : memref<32x1536xf32, #tpu.memory_space<vmem>>)
    %add3A_313 = arith.constant 7 : i32
    %add3A_314 = arith.addi %select_n3A, %add3A_313 : i32
    %mul3A_315 = arith.constant 1536 : i32
    %mul3A_316 = arith.muli %add3A_314, %mul3A_315 : i32
    %multiple_of3A_317 = tpu.assume_multiple %mul3A_316, 128 : i32
    %dma_wait3A_318 = arith.constant 0 : i32
    %dma_wait3A_319 = tpu.memref_slice %arg3[%dma_wait3A_318, %multiple_of3A_317] : memref<32x1000000xf32, #tpu.memory_space<hbm>> -> memref<32x1536xf32, #tpu.memory_space<hbm>>
    %dma_wait3A_320 = arith.constant 0 : i32
    %dma_wait3A_321 = tpu.memref_slice %arg3[%dma_wait3A_320, %multiple_of3A_317] : memref<32x1000000xf32, #tpu.memory_space<hbm>> -> memref<32x1536xf32, #tpu.memory_space<hbm>>
    tpu.wait_dma2 semaphore(%arg10 : memref<!tpu.dma_semaphore, #tpu.memory_space<semaphore_mem>>) src(%arg5 : memref<32x1536xf32, #tpu.memory_space<vmem>>) dst(%dma_wait3A_321 : memref<32x1536xf32, #tpu.memory_space<hbm>>)
    %add3A_322 = arith.constant 9 : i32
    %add3A_323 = arith.addi %select_n3A, %add3A_322 : i32
    %mul3A_324 = arith.constant 1536 : i32
    %mul3A_325 = arith.muli %add3A_323, %mul3A_324 : i32
    %multiple_of3A_326 = tpu.assume_multiple %mul3A_325, 128 : i32
    %dma_start3A_327 = arith.constant 0 : i32
    %dma_start3A_328 = tpu.memref_slice %arg2[%dma_start3A_327, %multiple_of3A_326] : memref<32x1000000xf32, #tpu.memory_space<hbm>> -> memref<32x1536xf32, #tpu.memory_space<hbm>>
    %dma_start3A_329 = arith.constant 0 : i32
    %dma_start3A_330 = tpu.memref_slice %arg2[%dma_start3A_329, %multiple_of3A_326] : memref<32x1000000xf32, #tpu.memory_space<hbm>> -> memref<32x1536xf32, #tpu.memory_space<hbm>>
    tpu.enqueue_dma source(%dma_start3A_330 : memref<32x1536xf32, #tpu.memory_space<hbm>>) target(%arg5 : memref<32x1536xf32, #tpu.memory_space<vmem>>) target_semaphore(%arg8 : memref<!tpu.dma_semaphore, #tpu.memory_space<semaphore_mem>>)
    %add3A_331 = arith.constant 8 : i32
    %add3A_332 = arith.addi %select_n3A, %add3A_331 : i32
    %mul3A_333 = arith.constant 1536 : i32
    %mul3A_334 = arith.muli %add3A_332, %mul3A_333 : i32
    %multiple_of3A_335 = tpu.assume_multiple %mul3A_334, 128 : i32
    %dma_start3A_336 = arith.constant 0 : i32
    %dma_start3A_337 = tpu.memref_slice %arg3[%dma_start3A_336, %multiple_of3A_335] : memref<32x1000000xf32, #tpu.memory_space<hbm>> -> memref<32x1536xf32, #tpu.memory_space<hbm>>
    %dma_start3A_338 = arith.constant 0 : i32
    %dma_start3A_339 = tpu.memref_slice %arg3[%dma_start3A_338, %multiple_of3A_335] : memref<32x1000000xf32, #tpu.memory_space<hbm>> -> memref<32x1536xf32, #tpu.memory_space<hbm>>
    tpu.enqueue_dma source(%arg4 : memref<32x1536xf32, #tpu.memory_space<vmem>>) target(%dma_start3A_339 : memref<32x1536xf32, #tpu.memory_space<hbm>>) target_semaphore(%arg9 : memref<!tpu.dma_semaphore, #tpu.memory_space<semaphore_mem>>)
    %add3A_340 = arith.constant 9 : i32
    %add3A_341 = arith.addi %select_n3A, %add3A_340 : i32
    %mul3A_342 = arith.constant 1536 : i32
    %mul3A_343 = arith.muli %add3A_341, %mul3A_342 : i32
    %multiple_of3A_344 = tpu.assume_multiple %mul3A_343, 128 : i32
    %dma_wait3A_345 = arith.constant 0 : i32
    %dma_wait3A_346 = tpu.memref_slice %arg2[%dma_wait3A_345, %multiple_of3A_344] : memref<32x1000000xf32, #tpu.memory_space<hbm>> -> memref<32x1536xf32, #tpu.memory_space<hbm>>
    %dma_wait3A_347 = arith.constant 0 : i32
    %dma_wait3A_348 = tpu.memref_slice %arg2[%dma_wait3A_347, %multiple_of3A_344] : memref<32x1000000xf32, #tpu.memory_space<hbm>> -> memref<32x1536xf32, #tpu.memory_space<hbm>>
    tpu.wait_dma2 semaphore(%arg8 : memref<!tpu.dma_semaphore, #tpu.memory_space<semaphore_mem>>) src(%dma_wait3A_348 : memref<32x1536xf32, #tpu.memory_space<hbm>>) dst(%arg5 : memref<32x1536xf32, #tpu.memory_space<vmem>>)
    %add3A_349 = arith.constant 8 : i32
    %add3A_350 = arith.addi %select_n3A, %add3A_349 : i32
    %mul3A_351 = arith.constant 1536 : i32
    %mul3A_352 = arith.muli %add3A_350, %mul3A_351 : i32
    %multiple_of3A_353 = tpu.assume_multiple %mul3A_352, 128 : i32
    %dma_wait3A_354 = arith.constant 0 : i32
    %dma_wait3A_355 = tpu.memref_slice %arg3[%dma_wait3A_354, %multiple_of3A_353] : memref<32x1000000xf32, #tpu.memory_space<hbm>> -> memref<32x1536xf32, #tpu.memory_space<hbm>>
    %dma_wait3A_356 = arith.constant 0 : i32
    %dma_wait3A_357 = tpu.memref_slice %arg3[%dma_wait3A_356, %multiple_of3A_353] : memref<32x1000000xf32, #tpu.memory_space<hbm>> -> memref<32x1536xf32, #tpu.memory_space<hbm>>
    tpu.wait_dma2 semaphore(%arg9 : memref<!tpu.dma_semaphore, #tpu.memory_space<semaphore_mem>>) src(%arg4 : memref<32x1536xf32, #tpu.memory_space<vmem>>) dst(%dma_wait3A_357 : memref<32x1536xf32, #tpu.memory_space<hbm>>)
    %add3A_358 = arith.constant 10 : i32
    %add3A_359 = arith.addi %select_n3A, %add3A_358 : i32
    %mul3A_360 = arith.constant 1536 : i32
    %mul3A_361 = arith.muli %add3A_359, %mul3A_360 : i32
    %multiple_of3A_362 = tpu.assume_multiple %mul3A_361, 128 : i32
    %dma_start3A_363 = arith.constant 0 : i32
    %dma_start3A_364 = tpu.memref_slice %arg2[%dma_start3A_363, %multiple_of3A_362] : memref<32x1000000xf32, #tpu.memory_space<hbm>> -> memref<32x1536xf32, #tpu.memory_space<hbm>>
    %dma_start3A_365 = arith.constant 0 : i32
    %dma_start3A_366 = tpu.memref_slice %arg2[%dma_start3A_365, %multiple_of3A_362] : memref<32x1000000xf32, #tpu.memory_space<hbm>> -> memref<32x1536xf32, #tpu.memory_space<hbm>>
    tpu.enqueue_dma source(%dma_start3A_366 : memref<32x1536xf32, #tpu.memory_space<hbm>>) target(%arg4 : memref<32x1536xf32, #tpu.memory_space<vmem>>) target_semaphore(%arg7 : memref<!tpu.dma_semaphore, #tpu.memory_space<semaphore_mem>>)
    %add3A_367 = arith.constant 9 : i32
    %add3A_368 = arith.addi %select_n3A, %add3A_367 : i32
    %mul3A_369 = arith.constant 1536 : i32
    %mul3A_370 = arith.muli %add3A_368, %mul3A_369 : i32
    %multiple_of3A_371 = tpu.assume_multiple %mul3A_370, 128 : i32
    %dma_start3A_372 = arith.constant 0 : i32
    %dma_start3A_373 = tpu.memref_slice %arg3[%dma_start3A_372, %multiple_of3A_371] : memref<32x1000000xf32, #tpu.memory_space<hbm>> -> memref<32x1536xf32, #tpu.memory_space<hbm>>
    %dma_start3A_374 = arith.constant 0 : i32
    %dma_start3A_375 = tpu.memref_slice %arg3[%dma_start3A_374, %multiple_of3A_371] : memref<32x1000000xf32, #tpu.memory_space<hbm>> -> memref<32x1536xf32, #tpu.memory_space<hbm>>
    tpu.enqueue_dma source(%arg5 : memref<32x1536xf32, #tpu.memory_space<vmem>>) target(%dma_start3A_375 : memref<32x1536xf32, #tpu.memory_space<hbm>>) target_semaphore(%arg10 : memref<!tpu.dma_semaphore, #tpu.memory_space<semaphore_mem>>)
    %add3A_376 = arith.constant 10 : i32
    %add3A_377 = arith.addi %select_n3A, %add3A_376 : i32
    %mul3A_378 = arith.constant 1536 : i32
    %mul3A_379 = arith.muli %add3A_377, %mul3A_378 : i32
    %multiple_of3A_380 = tpu.assume_multiple %mul3A_379, 128 : i32
    %dma_wait3A_381 = arith.constant 0 : i32
    %dma_wait3A_382 = tpu.memref_slice %arg2[%dma_wait3A_381, %multiple_of3A_380] : memref<32x1000000xf32, #tpu.memory_space<hbm>> -> memref<32x1536xf32, #tpu.memory_space<hbm>>
    %dma_wait3A_383 = arith.constant 0 : i32
    %dma_wait3A_384 = tpu.memref_slice %arg2[%dma_wait3A_383, %multiple_of3A_380] : memref<32x1000000xf32, #tpu.memory_space<hbm>> -> memref<32x1536xf32, #tpu.memory_space<hbm>>
    tpu.wait_dma2 semaphore(%arg7 : memref<!tpu.dma_semaphore, #tpu.memory_space<semaphore_mem>>) src(%dma_wait3A_384 : memref<32x1536xf32, #tpu.memory_space<hbm>>) dst(%arg4 : memref<32x1536xf32, #tpu.memory_space<vmem>>)
    %add3A_385 = arith.constant 9 : i32
    %add3A_386 = arith.addi %select_n3A, %add3A_385 : i32
    %mul3A_387 = arith.constant 1536 : i32
    %mul3A_388 = arith.muli %add3A_386, %mul3A_387 : i32
    %multiple_of3A_389 = tpu.assume_multiple %mul3A_388, 128 : i32
    %dma_wait3A_390 = arith.constant 0 : i32
    %dma_wait3A_391 = tpu.memref_slice %arg3[%dma_wait3A_390, %multiple_of3A_389] : memref<32x1000000xf32, #tpu.memory_space<hbm>> -> memref<32x1536xf32, #tpu.memory_space<hbm>>
    %dma_wait3A_392 = arith.constant 0 : i32
    %dma_wait3A_393 = tpu.memref_slice %arg3[%dma_wait3A_392, %multiple_of3A_389] : memref<32x1000000xf32, #tpu.memory_space<hbm>> -> memref<32x1536xf32, #tpu.memory_space<hbm>>
    tpu.wait_dma2 semaphore(%arg10 : memref<!tpu.dma_semaphore, #tpu.memory_space<semaphore_mem>>) src(%arg5 : memref<32x1536xf32, #tpu.memory_space<vmem>>) dst(%dma_wait3A_393 : memref<32x1536xf32, #tpu.memory_space<hbm>>)
    %add3A_394 = arith.constant 11 : i32
    %add3A_395 = arith.addi %select_n3A, %add3A_394 : i32
    %mul3A_396 = arith.constant 1536 : i32
    %mul3A_397 = arith.muli %add3A_395, %mul3A_396 : i32
    %multiple_of3A_398 = tpu.assume_multiple %mul3A_397, 128 : i32
    %dma_start3A_399 = arith.constant 0 : i32
    %dma_start3A_400 = tpu.memref_slice %arg2[%dma_start3A_399, %multiple_of3A_398] : memref<32x1000000xf32, #tpu.memory_space<hbm>> -> memref<32x1536xf32, #tpu.memory_space<hbm>>
    %dma_start3A_401 = arith.constant 0 : i32
    %dma_start3A_402 = tpu.memref_slice %arg2[%dma_start3A_401, %multiple_of3A_398] : memref<32x1000000xf32, #tpu.memory_space<hbm>> -> memref<32x1536xf32, #tpu.memory_space<hbm>>
    tpu.enqueue_dma source(%dma_start3A_402 : memref<32x1536xf32, #tpu.memory_space<hbm>>) target(%arg5 : memref<32x1536xf32, #tpu.memory_space<vmem>>) target_semaphore(%arg8 : memref<!tpu.dma_semaphore, #tpu.memory_space<semaphore_mem>>)
    %add3A_403 = arith.constant 10 : i32
    %add3A_404 = arith.addi %select_n3A, %add3A_403 : i32
    %mul3A_405 = arith.constant 1536 : i32
    %mul3A_406 = arith.muli %add3A_404, %mul3A_405 : i32
    %multiple_of3A_407 = tpu.assume_multiple %mul3A_406, 128 : i32
    %dma_start3A_408 = arith.constant 0 : i32
    %dma_start3A_409 = tpu.memref_slice %arg3[%dma_start3A_408, %multiple_of3A_407] : memref<32x1000000xf32, #tpu.memory_space<hbm>> -> memref<32x1536xf32, #tpu.memory_space<hbm>>
    %dma_start3A_410 = arith.constant 0 : i32
    %dma_start3A_411 = tpu.memref_slice %arg3[%dma_start3A_410, %multiple_of3A_407] : memref<32x1000000xf32, #tpu.memory_space<hbm>> -> memref<32x1536xf32, #tpu.memory_space<hbm>>
    tpu.enqueue_dma source(%arg4 : memref<32x1536xf32, #tpu.memory_space<vmem>>) target(%dma_start3A_411 : memref<32x1536xf32, #tpu.memory_space<hbm>>) target_semaphore(%arg9 : memref<!tpu.dma_semaphore, #tpu.memory_space<semaphore_mem>>)
    %add3A_412 = arith.constant 11 : i32
    %add3A_413 = arith.addi %select_n3A, %add3A_412 : i32
    %mul3A_414 = arith.constant 1536 : i32
    %mul3A_415 = arith.muli %add3A_413, %mul3A_414 : i32
    %multiple_of3A_416 = tpu.assume_multiple %mul3A_415, 128 : i32
    %dma_wait3A_417 = arith.constant 0 : i32
    %dma_wait3A_418 = tpu.memref_slice %arg2[%dma_wait3A_417, %multiple_of3A_416] : memref<32x1000000xf32, #tpu.memory_space<hbm>> -> memref<32x1536xf32, #tpu.memory_space<hbm>>
    %dma_wait3A_419 = arith.constant 0 : i32
    %dma_wait3A_420 = tpu.memref_slice %arg2[%dma_wait3A_419, %multiple_of3A_416] : memref<32x1000000xf32, #tpu.memory_space<hbm>> -> memref<32x1536xf32, #tpu.memory_space<hbm>>
    tpu.wait_dma2 semaphore(%arg8 : memref<!tpu.dma_semaphore, #tpu.memory_space<semaphore_mem>>) src(%dma_wait3A_420 : memref<32x1536xf32, #tpu.memory_space<hbm>>) dst(%arg5 : memref<32x1536xf32, #tpu.memory_space<vmem>>)
    %add3A_421 = arith.constant 10 : i32
    %add3A_422 = arith.addi %select_n3A, %add3A_421 : i32
    %mul3A_423 = arith.constant 1536 : i32
    %mul3A_424 = arith.muli %add3A_422, %mul3A_423 : i32
    %multiple_of3A_425 = tpu.assume_multiple %mul3A_424, 128 : i32
    %dma_wait3A_426 = arith.constant 0 : i32
    %dma_wait3A_427 = tpu.memref_slice %arg3[%dma_wait3A_426, %multiple_of3A_425] : memref<32x1000000xf32, #tpu.memory_space<hbm>> -> memref<32x1536xf32, #tpu.memory_space<hbm>>
    %dma_wait3A_428 = arith.constant 0 : i32
    %dma_wait3A_429 = tpu.memref_slice %arg3[%dma_wait3A_428, %multiple_of3A_425] : memref<32x1000000xf32, #tpu.memory_space<hbm>> -> memref<32x1536xf32, #tpu.memory_space<hbm>>
    tpu.wait_dma2 semaphore(%arg9 : memref<!tpu.dma_semaphore, #tpu.memory_space<semaphore_mem>>) src(%arg4 : memref<32x1536xf32, #tpu.memory_space<vmem>>) dst(%dma_wait3A_429 : memref<32x1536xf32, #tpu.memory_space<hbm>>)
    %add3A_430 = arith.constant 12 : i32
    %add3A_431 = arith.addi %select_n3A, %add3A_430 : i32
    %mul3A_432 = arith.constant 1536 : i32
    %mul3A_433 = arith.muli %add3A_431, %mul3A_432 : i32
    %multiple_of3A_434 = tpu.assume_multiple %mul3A_433, 128 : i32
    %dma_start3A_435 = arith.constant 0 : i32
    %dma_start3A_436 = tpu.memref_slice %arg2[%dma_start3A_435, %multiple_of3A_434] : memref<32x1000000xf32, #tpu.memory_space<hbm>> -> memref<32x1536xf32, #tpu.memory_space<hbm>>
    %dma_start3A_437 = arith.constant 0 : i32
    %dma_start3A_438 = tpu.memref_slice %arg2[%dma_start3A_437, %multiple_of3A_434] : memref<32x1000000xf32, #tpu.memory_space<hbm>> -> memref<32x1536xf32, #tpu.memory_space<hbm>>
    tpu.enqueue_dma source(%dma_start3A_438 : memref<32x1536xf32, #tpu.memory_space<hbm>>) target(%arg4 : memref<32x1536xf32, #tpu.memory_space<vmem>>) target_semaphore(%arg7 : memref<!tpu.dma_semaphore, #tpu.memory_space<semaphore_mem>>)
    %add3A_439 = arith.constant 11 : i32
    %add3A_440 = arith.addi %select_n3A, %add3A_439 : i32
    %mul3A_441 = arith.constant 1536 : i32
    %mul3A_442 = arith.muli %add3A_440, %mul3A_441 : i32
    %multiple_of3A_443 = tpu.assume_multiple %mul3A_442, 128 : i32
    %dma_start3A_444 = arith.constant 0 : i32
    %dma_start3A_445 = tpu.memref_slice %arg3[%dma_start3A_444, %multiple_of3A_443] : memref<32x1000000xf32, #tpu.memory_space<hbm>> -> memref<32x1536xf32, #tpu.memory_space<hbm>>
    %dma_start3A_446 = arith.constant 0 : i32
    %dma_start3A_447 = tpu.memref_slice %arg3[%dma_start3A_446, %multiple_of3A_443] : memref<32x1000000xf32, #tpu.memory_space<hbm>> -> memref<32x1536xf32, #tpu.memory_space<hbm>>
    tpu.enqueue_dma source(%arg5 : memref<32x1536xf32, #tpu.memory_space<vmem>>) target(%dma_start3A_447 : memref<32x1536xf32, #tpu.memory_space<hbm>>) target_semaphore(%arg10 : memref<!tpu.dma_semaphore, #tpu.memory_space<semaphore_mem>>)
    %add3A_448 = arith.constant 12 : i32
    %add3A_449 = arith.addi %select_n3A, %add3A_448 : i32
    %mul3A_450 = arith.constant 1536 : i32
    %mul3A_451 = arith.muli %add3A_449, %mul3A_450 : i32
    %multiple_of3A_452 = tpu.assume_multiple %mul3A_451, 128 : i32
    %dma_wait3A_453 = arith.constant 0 : i32
    %dma_wait3A_454 = tpu.memref_slice %arg2[%dma_wait3A_453, %multiple_of3A_452] : memref<32x1000000xf32, #tpu.memory_space<hbm>> -> memref<32x1536xf32, #tpu.memory_space<hbm>>
    %dma_wait3A_455 = arith.constant 0 : i32
    %dma_wait3A_456 = tpu.memref_slice %arg2[%dma_wait3A_455, %multiple_of3A_452] : memref<32x1000000xf32, #tpu.memory_space<hbm>> -> memref<32x1536xf32, #tpu.memory_space<hbm>>
    tpu.wait_dma2 semaphore(%arg7 : memref<!tpu.dma_semaphore, #tpu.memory_space<semaphore_mem>>) src(%dma_wait3A_456 : memref<32x1536xf32, #tpu.memory_space<hbm>>) dst(%arg4 : memref<32x1536xf32, #tpu.memory_space<vmem>>)
    %add3A_457 = arith.constant 11 : i32
    %add3A_458 = arith.addi %select_n3A, %add3A_457 : i32
    %mul3A_459 = arith.constant 1536 : i32
    %mul3A_460 = arith.muli %add3A_458, %mul3A_459 : i32
    %multiple_of3A_461 = tpu.assume_multiple %mul3A_460, 128 : i32
    %dma_wait3A_462 = arith.constant 0 : i32
    %dma_wait3A_463 = tpu.memref_slice %arg3[%dma_wait3A_462, %multiple_of3A_461] : memref<32x1000000xf32, #tpu.memory_space<hbm>> -> memref<32x1536xf32, #tpu.memory_space<hbm>>
    %dma_wait3A_464 = arith.constant 0 : i32
    %dma_wait3A_465 = tpu.memref_slice %arg3[%dma_wait3A_464, %multiple_of3A_461] : memref<32x1000000xf32, #tpu.memory_space<hbm>> -> memref<32x1536xf32, #tpu.memory_space<hbm>>
    tpu.wait_dma2 semaphore(%arg10 : memref<!tpu.dma_semaphore, #tpu.memory_space<semaphore_mem>>) src(%arg5 : memref<32x1536xf32, #tpu.memory_space<vmem>>) dst(%dma_wait3A_465 : memref<32x1536xf32, #tpu.memory_space<hbm>>)
    %add3A_466 = arith.constant 13 : i32
    %add3A_467 = arith.addi %select_n3A, %add3A_466 : i32
    %mul3A_468 = arith.constant 1536 : i32
    %mul3A_469 = arith.muli %add3A_467, %mul3A_468 : i32
    %multiple_of3A_470 = tpu.assume_multiple %mul3A_469, 128 : i32
    %dma_start3A_471 = arith.constant 0 : i32
    %dma_start3A_472 = tpu.memref_slice %arg2[%dma_start3A_471, %multiple_of3A_470] : memref<32x1000000xf32, #tpu.memory_space<hbm>> -> memref<32x1536xf32, #tpu.memory_space<hbm>>
    %dma_start3A_473 = arith.constant 0 : i32
    %dma_start3A_474 = tpu.memref_slice %arg2[%dma_start3A_473, %multiple_of3A_470] : memref<32x1000000xf32, #tpu.memory_space<hbm>> -> memref<32x1536xf32, #tpu.memory_space<hbm>>
    tpu.enqueue_dma source(%dma_start3A_474 : memref<32x1536xf32, #tpu.memory_space<hbm>>) target(%arg5 : memref<32x1536xf32, #tpu.memory_space<vmem>>) target_semaphore(%arg8 : memref<!tpu.dma_semaphore, #tpu.memory_space<semaphore_mem>>)
    %add3A_475 = arith.constant 12 : i32
    %add3A_476 = arith.addi %select_n3A, %add3A_475 : i32
    %mul3A_477 = arith.constant 1536 : i32
    %mul3A_478 = arith.muli %add3A_476, %mul3A_477 : i32
    %multiple_of3A_479 = tpu.assume_multiple %mul3A_478, 128 : i32
    %dma_start3A_480 = arith.constant 0 : i32
    %dma_start3A_481 = tpu.memref_slice %arg3[%dma_start3A_480, %multiple_of3A_479] : memref<32x1000000xf32, #tpu.memory_space<hbm>> -> memref<32x1536xf32, #tpu.memory_space<hbm>>
    %dma_start3A_482 = arith.constant 0 : i32
    %dma_start3A_483 = tpu.memref_slice %arg3[%dma_start3A_482, %multiple_of3A_479] : memref<32x1000000xf32, #tpu.memory_space<hbm>> -> memref<32x1536xf32, #tpu.memory_space<hbm>>
    tpu.enqueue_dma source(%arg4 : memref<32x1536xf32, #tpu.memory_space<vmem>>) target(%dma_start3A_483 : memref<32x1536xf32, #tpu.memory_space<hbm>>) target_semaphore(%arg9 : memref<!tpu.dma_semaphore, #tpu.memory_space<semaphore_mem>>)
    %add3A_484 = arith.constant 13 : i32
    %add3A_485 = arith.addi %select_n3A, %add3A_484 : i32
    %mul3A_486 = arith.constant 1536 : i32
    %mul3A_487 = arith.muli %add3A_485, %mul3A_486 : i32
    %multiple_of3A_488 = tpu.assume_multiple %mul3A_487, 128 : i32
    %dma_wait3A_489 = arith.constant 0 : i32
    %dma_wait3A_490 = tpu.memref_slice %arg2[%dma_wait3A_489, %multiple_of3A_488] : memref<32x1000000xf32, #tpu.memory_space<hbm>> -> memref<32x1536xf32, #tpu.memory_space<hbm>>
    %dma_wait3A_491 = arith.constant 0 : i32
    %dma_wait3A_492 = tpu.memref_slice %arg2[%dma_wait3A_491, %multiple_of3A_488] : memref<32x1000000xf32, #tpu.memory_space<hbm>> -> memref<32x1536xf32, #tpu.memory_space<hbm>>
    tpu.wait_dma2 semaphore(%arg8 : memref<!tpu.dma_semaphore, #tpu.memory_space<semaphore_mem>>) src(%dma_wait3A_492 : memref<32x1536xf32, #tpu.memory_space<hbm>>) dst(%arg5 : memref<32x1536xf32, #tpu.memory_space<vmem>>)
    %add3A_493 = arith.constant 12 : i32
    %add3A_494 = arith.addi %select_n3A, %add3A_493 : i32
    %mul3A_495 = arith.constant 1536 : i32
    %mul3A_496 = arith.muli %add3A_494, %mul3A_495 : i32
    %multiple_of3A_497 = tpu.assume_multiple %mul3A_496, 128 : i32
    %dma_wait3A_498 = arith.constant 0 : i32
    %dma_wait3A_499 = tpu.memref_slice %arg3[%dma_wait3A_498, %multiple_of3A_497] : memref<32x1000000xf32, #tpu.memory_space<hbm>> -> memref<32x1536xf32, #tpu.memory_space<hbm>>
    %dma_wait3A_500 = arith.constant 0 : i32
    %dma_wait3A_501 = tpu.memref_slice %arg3[%dma_wait3A_500, %multiple_of3A_497] : memref<32x1000000xf32, #tpu.memory_space<hbm>> -> memref<32x1536xf32, #tpu.memory_space<hbm>>
    tpu.wait_dma2 semaphore(%arg9 : memref<!tpu.dma_semaphore, #tpu.memory_space<semaphore_mem>>) src(%arg4 : memref<32x1536xf32, #tpu.memory_space<vmem>>) dst(%dma_wait3A_501 : memref<32x1536xf32, #tpu.memory_space<hbm>>)
    %add3A_502 = arith.constant 14 : i32
    %add3A_503 = arith.addi %select_n3A, %add3A_502 : i32
    %mul3A_504 = arith.constant 1536 : i32
    %mul3A_505 = arith.muli %add3A_503, %mul3A_504 : i32
    %multiple_of3A_506 = tpu.assume_multiple %mul3A_505, 128 : i32
    %dma_start3A_507 = arith.constant 0 : i32
    %dma_start3A_508 = tpu.memref_slice %arg2[%dma_start3A_507, %multiple_of3A_506] : memref<32x1000000xf32, #tpu.memory_space<hbm>> -> memref<32x1536xf32, #tpu.memory_space<hbm>>
    %dma_start3A_509 = arith.constant 0 : i32
    %dma_start3A_510 = tpu.memref_slice %arg2[%dma_start3A_509, %multiple_of3A_506] : memref<32x1000000xf32, #tpu.memory_space<hbm>> -> memref<32x1536xf32, #tpu.memory_space<hbm>>
    tpu.enqueue_dma source(%dma_start3A_510 : memref<32x1536xf32, #tpu.memory_space<hbm>>) target(%arg4 : memref<32x1536xf32, #tpu.memory_space<vmem>>) target_semaphore(%arg7 : memref<!tpu.dma_semaphore, #tpu.memory_space<semaphore_mem>>)
    %add3A_511 = arith.constant 13 : i32
    %add3A_512 = arith.addi %select_n3A, %add3A_511 : i32
    %mul3A_513 = arith.constant 1536 : i32
    %mul3A_514 = arith.muli %add3A_512, %mul3A_513 : i32
    %multiple_of3A_515 = tpu.assume_multiple %mul3A_514, 128 : i32
    %dma_start3A_516 = arith.constant 0 : i32
    %dma_start3A_517 = tpu.memref_slice %arg3[%dma_start3A_516, %multiple_of3A_515] : memref<32x1000000xf32, #tpu.memory_space<hbm>> -> memref<32x1536xf32, #tpu.memory_space<hbm>>
    %dma_start3A_518 = arith.constant 0 : i32
    %dma_start3A_519 = tpu.memref_slice %arg3[%dma_start3A_518, %multiple_of3A_515] : memref<32x1000000xf32, #tpu.memory_space<hbm>> -> memref<32x1536xf32, #tpu.memory_space<hbm>>
    tpu.enqueue_dma source(%arg5 : memref<32x1536xf32, #tpu.memory_space<vmem>>) target(%dma_start3A_519 : memref<32x1536xf32, #tpu.memory_space<hbm>>) target_semaphore(%arg10 : memref<!tpu.dma_semaphore, #tpu.memory_space<semaphore_mem>>)
    %add3A_520 = arith.constant 14 : i32
    %add3A_521 = arith.addi %select_n3A, %add3A_520 : i32
    %mul3A_522 = arith.constant 1536 : i32
    %mul3A_523 = arith.muli %add3A_521, %mul3A_522 : i32
    %multiple_of3A_524 = tpu.assume_multiple %mul3A_523, 128 : i32
    %dma_wait3A_525 = arith.constant 0 : i32
    %dma_wait3A_526 = tpu.memref_slice %arg2[%dma_wait3A_525, %multiple_of3A_524] : memref<32x1000000xf32, #tpu.memory_space<hbm>> -> memref<32x1536xf32, #tpu.memory_space<hbm>>
    %dma_wait3A_527 = arith.constant 0 : i32
    %dma_wait3A_528 = tpu.memref_slice %arg2[%dma_wait3A_527, %multiple_of3A_524] : memref<32x1000000xf32, #tpu.memory_space<hbm>> -> memref<32x1536xf32, #tpu.memory_space<hbm>>
    tpu.wait_dma2 semaphore(%arg7 : memref<!tpu.dma_semaphore, #tpu.memory_space<semaphore_mem>>) src(%dma_wait3A_528 : memref<32x1536xf32, #tpu.memory_space<hbm>>) dst(%arg4 : memref<32x1536xf32, #tpu.memory_space<vmem>>)
    %add3A_529 = arith.constant 13 : i32
    %add3A_530 = arith.addi %select_n3A, %add3A_529 : i32
    %mul3A_531 = arith.constant 1536 : i32
    %mul3A_532 = arith.muli %add3A_530, %mul3A_531 : i32
    %multiple_of3A_533 = tpu.assume_multiple %mul3A_532, 128 : i32
    %dma_wait3A_534 = arith.constant 0 : i32
    %dma_wait3A_535 = tpu.memref_slice %arg3[%dma_wait3A_534, %multiple_of3A_533] : memref<32x1000000xf32, #tpu.memory_space<hbm>> -> memref<32x1536xf32, #tpu.memory_space<hbm>>
    %dma_wait3A_536 = arith.constant 0 : i32
    %dma_wait3A_537 = tpu.memref_slice %arg3[%dma_wait3A_536, %multiple_of3A_533] : memref<32x1000000xf32, #tpu.memory_space<hbm>> -> memref<32x1536xf32, #tpu.memory_space<hbm>>
    tpu.wait_dma2 semaphore(%arg10 : memref<!tpu.dma_semaphore, #tpu.memory_space<semaphore_mem>>) src(%arg5 : memref<32x1536xf32, #tpu.memory_space<vmem>>) dst(%dma_wait3A_537 : memref<32x1536xf32, #tpu.memory_space<hbm>>)
    %add3A_538 = arith.constant 15 : i32
    %add3A_539 = arith.addi %select_n3A, %add3A_538 : i32
    %mul3A_540 = arith.constant 1536 : i32
    %mul3A_541 = arith.muli %add3A_539, %mul3A_540 : i32
    %multiple_of3A_542 = tpu.assume_multiple %mul3A_541, 128 : i32
    %dma_start3A_543 = arith.constant 0 : i32
    %dma_start3A_544 = tpu.memref_slice %arg2[%dma_start3A_543, %multiple_of3A_542] : memref<32x1000000xf32, #tpu.memory_space<hbm>> -> memref<32x1536xf32, #tpu.memory_space<hbm>>
    %dma_start3A_545 = arith.constant 0 : i32
    %dma_start3A_546 = tpu.memref_slice %arg2[%dma_start3A_545, %multiple_of3A_542] : memref<32x1000000xf32, #tpu.memory_space<hbm>> -> memref<32x1536xf32, #tpu.memory_space<hbm>>
    tpu.enqueue_dma source(%dma_start3A_546 : memref<32x1536xf32, #tpu.memory_space<hbm>>) target(%arg5 : memref<32x1536xf32, #tpu.memory_space<vmem>>) target_semaphore(%arg8 : memref<!tpu.dma_semaphore, #tpu.memory_space<semaphore_mem>>)
    %add3A_547 = arith.constant 14 : i32
    %add3A_548 = arith.addi %select_n3A, %add3A_547 : i32
    %mul3A_549 = arith.constant 1536 : i32
    %mul3A_550 = arith.muli %add3A_548, %mul3A_549 : i32
    %multiple_of3A_551 = tpu.assume_multiple %mul3A_550, 128 : i32
    %dma_start3A_552 = arith.constant 0 : i32
    %dma_start3A_553 = tpu.memref_slice %arg3[%dma_start3A_552, %multiple_of3A_551] : memref<32x1000000xf32, #tpu.memory_space<hbm>> -> memref<32x1536xf32, #tpu.memory_space<hbm>>
    %dma_start3A_554 = arith.constant 0 : i32
    %dma_start3A_555 = tpu.memref_slice %arg3[%dma_start3A_554, %multiple_of3A_551] : memref<32x1000000xf32, #tpu.memory_space<hbm>> -> memref<32x1536xf32, #tpu.memory_space<hbm>>
    tpu.enqueue_dma source(%arg4 : memref<32x1536xf32, #tpu.memory_space<vmem>>) target(%dma_start3A_555 : memref<32x1536xf32, #tpu.memory_space<hbm>>) target_semaphore(%arg9 : memref<!tpu.dma_semaphore, #tpu.memory_space<semaphore_mem>>)
    %add3A_556 = arith.constant 15 : i32
    %add3A_557 = arith.addi %select_n3A, %add3A_556 : i32
    %mul3A_558 = arith.constant 1536 : i32
    %mul3A_559 = arith.muli %add3A_557, %mul3A_558 : i32
    %multiple_of3A_560 = tpu.assume_multiple %mul3A_559, 128 : i32
    %dma_wait3A_561 = arith.constant 0 : i32
    %dma_wait3A_562 = tpu.memref_slice %arg2[%dma_wait3A_561, %multiple_of3A_560] : memref<32x1000000xf32, #tpu.memory_space<hbm>> -> memref<32x1536xf32, #tpu.memory_space<hbm>>
    %dma_wait3A_563 = arith.constant 0 : i32
    %dma_wait3A_564 = tpu.memref_slice %arg2[%dma_wait3A_563, %multiple_of3A_560] : memref<32x1000000xf32, #tpu.memory_space<hbm>> -> memref<32x1536xf32, #tpu.memory_space<hbm>>
    tpu.wait_dma2 semaphore(%arg8 : memref<!tpu.dma_semaphore, #tpu.memory_space<semaphore_mem>>) src(%dma_wait3A_564 : memref<32x1536xf32, #tpu.memory_space<hbm>>) dst(%arg5 : memref<32x1536xf32, #tpu.memory_space<vmem>>)
    %add3A_565 = arith.constant 14 : i32
    %add3A_566 = arith.addi %select_n3A, %add3A_565 : i32
    %mul3A_567 = arith.constant 1536 : i32
    %mul3A_568 = arith.muli %add3A_566, %mul3A_567 : i32
    %multiple_of3A_569 = tpu.assume_multiple %mul3A_568, 128 : i32
    %dma_wait3A_570 = arith.constant 0 : i32
    %dma_wait3A_571 = tpu.memref_slice %arg3[%dma_wait3A_570, %multiple_of3A_569] : memref<32x1000000xf32, #tpu.memory_space<hbm>> -> memref<32x1536xf32, #tpu.memory_space<hbm>>
    %dma_wait3A_572 = arith.constant 0 : i32
    %dma_wait3A_573 = tpu.memref_slice %arg3[%dma_wait3A_572, %multiple_of3A_569] : memref<32x1000000xf32, #tpu.memory_space<hbm>> -> memref<32x1536xf32, #tpu.memory_space<hbm>>
    tpu.wait_dma2 semaphore(%arg9 : memref<!tpu.dma_semaphore, #tpu.memory_space<semaphore_mem>>) src(%arg4 : memref<32x1536xf32, #tpu.memory_space<vmem>>) dst(%dma_wait3A_573 : memref<32x1536xf32, #tpu.memory_space<hbm>>)
    %add3A_574 = arith.constant 16 : i32
    %add3A_575 = arith.addi %select_n3A, %add3A_574 : i32
    %mul3A_576 = arith.constant 1536 : i32
    %mul3A_577 = arith.muli %add3A_575, %mul3A_576 : i32
    %multiple_of3A_578 = tpu.assume_multiple %mul3A_577, 128 : i32
    %dma_start3A_579 = arith.constant 0 : i32
    %dma_start3A_580 = tpu.memref_slice %arg2[%dma_start3A_579, %multiple_of3A_578] : memref<32x1000000xf32, #tpu.memory_space<hbm>> -> memref<32x1536xf32, #tpu.memory_space<hbm>>
    %dma_start3A_581 = arith.constant 0 : i32
    %dma_start3A_582 = tpu.memref_slice %arg2[%dma_start3A_581, %multiple_of3A_578] : memref<32x1000000xf32, #tpu.memory_space<hbm>> -> memref<32x1536xf32, #tpu.memory_space<hbm>>
    tpu.enqueue_dma source(%dma_start3A_582 : memref<32x1536xf32, #tpu.memory_space<hbm>>) target(%arg4 : memref<32x1536xf32, #tpu.memory_space<vmem>>) target_semaphore(%arg7 : memref<!tpu.dma_semaphore, #tpu.memory_space<semaphore_mem>>)
    %add3A_583 = arith.constant 15 : i32
    %add3A_584 = arith.addi %select_n3A, %add3A_583 : i32
    %mul3A_585 = arith.constant 1536 : i32
    %mul3A_586 = arith.muli %add3A_584, %mul3A_585 : i32
    %multiple_of3A_587 = tpu.assume_multiple %mul3A_586, 128 : i32
    %dma_start3A_588 = arith.constant 0 : i32
    %dma_start3A_589 = tpu.memref_slice %arg3[%dma_start3A_588, %multiple_of3A_587] : memref<32x1000000xf32, #tpu.memory_space<hbm>> -> memref<32x1536xf32, #tpu.memory_space<hbm>>
    %dma_start3A_590 = arith.constant 0 : i32
    %dma_start3A_591 = tpu.memref_slice %arg3[%dma_start3A_590, %multiple_of3A_587] : memref<32x1000000xf32, #tpu.memory_space<hbm>> -> memref<32x1536xf32, #tpu.memory_space<hbm>>
    tpu.enqueue_dma source(%arg5 : memref<32x1536xf32, #tpu.memory_space<vmem>>) target(%dma_start3A_591 : memref<32x1536xf32, #tpu.memory_space<hbm>>) target_semaphore(%arg10 : memref<!tpu.dma_semaphore, #tpu.memory_space<semaphore_mem>>)
    %add3A_592 = arith.constant 16 : i32
    %add3A_593 = arith.addi %select_n3A, %add3A_592 : i32
    %mul3A_594 = arith.constant 1536 : i32
    %mul3A_595 = arith.muli %add3A_593, %mul3A_594 : i32
    %multiple_of3A_596 = tpu.assume_multiple %mul3A_595, 128 : i32
    %dma_wait3A_597 = arith.constant 0 : i32
    %dma_wait3A_598 = tpu.memref_slice %arg2[%dma_wait3A_597, %multiple_of3A_596] : memref<32x1000000xf32, #tpu.memory_space<hbm>> -> memref<32x1536xf32, #tpu.memory_space<hbm>>
    %dma_wait3A_599 = arith.constant 0 : i32
    %dma_wait3A_600 = tpu.memref_slice %arg2[%dma_wait3A_599, %multiple_of3A_596] : memref<32x1000000xf32, #tpu.memory_space<hbm>> -> memref<32x1536xf32, #tpu.memory_space<hbm>>
    tpu.wait_dma2 semaphore(%arg7 : memref<!tpu.dma_semaphore, #tpu.memory_space<semaphore_mem>>) src(%dma_wait3A_600 : memref<32x1536xf32, #tpu.memory_space<hbm>>) dst(%arg4 : memref<32x1536xf32, #tpu.memory_space<vmem>>)
    %add3A_601 = arith.constant 15 : i32
    %add3A_602 = arith.addi %select_n3A, %add3A_601 : i32
    %mul3A_603 = arith.constant 1536 : i32
    %mul3A_604 = arith.muli %add3A_602, %mul3A_603 : i32
    %multiple_of3A_605 = tpu.assume_multiple %mul3A_604, 128 : i32
    %dma_wait3A_606 = arith.constant 0 : i32
    %dma_wait3A_607 = tpu.memref_slice %arg3[%dma_wait3A_606, %multiple_of3A_605] : memref<32x1000000xf32, #tpu.memory_space<hbm>> -> memref<32x1536xf32, #tpu.memory_space<hbm>>
    %dma_wait3A_608 = arith.constant 0 : i32
    %dma_wait3A_609 = tpu.memref_slice %arg3[%dma_wait3A_608, %multiple_of3A_605] : memref<32x1000000xf32, #tpu.memory_space<hbm>> -> memref<32x1536xf32, #tpu.memory_space<hbm>>
    tpu.wait_dma2 semaphore(%arg10 : memref<!tpu.dma_semaphore, #tpu.memory_space<semaphore_mem>>) src(%arg5 : memref<32x1536xf32, #tpu.memory_space<vmem>>) dst(%dma_wait3A_609 : memref<32x1536xf32, #tpu.memory_space<hbm>>)
    %add3A_610 = arith.constant 17 : i32
    %add3A_611 = arith.addi %select_n3A, %add3A_610 : i32
    %mul3A_612 = arith.constant 1536 : i32
    %mul3A_613 = arith.muli %add3A_611, %mul3A_612 : i32
    %multiple_of3A_614 = tpu.assume_multiple %mul3A_613, 128 : i32
    %dma_start3A_615 = arith.constant 0 : i32
    %dma_start3A_616 = tpu.memref_slice %arg2[%dma_start3A_615, %multiple_of3A_614] : memref<32x1000000xf32, #tpu.memory_space<hbm>> -> memref<32x1536xf32, #tpu.memory_space<hbm>>
    %dma_start3A_617 = arith.constant 0 : i32
    %dma_start3A_618 = tpu.memref_slice %arg2[%dma_start3A_617, %multiple_of3A_614] : memref<32x1000000xf32, #tpu.memory_space<hbm>> -> memref<32x1536xf32, #tpu.memory_space<hbm>>
    tpu.enqueue_dma source(%dma_start3A_618 : memref<32x1536xf32, #tpu.memory_space<hbm>>) target(%arg5 : memref<32x1536xf32, #tpu.memory_space<vmem>>) target_semaphore(%arg8 : memref<!tpu.dma_semaphore, #tpu.memory_space<semaphore_mem>>)
    %add3A_619 = arith.constant 16 : i32
    %add3A_620 = arith.addi %select_n3A, %add3A_619 : i32
    %mul3A_621 = arith.constant 1536 : i32
    %mul3A_622 = arith.muli %add3A_620, %mul3A_621 : i32
    %multiple_of3A_623 = tpu.assume_multiple %mul3A_622, 128 : i32
    %dma_start3A_624 = arith.constant 0 : i32
    %dma_start3A_625 = tpu.memref_slice %arg3[%dma_start3A_624, %multiple_of3A_623] : memref<32x1000000xf32, #tpu.memory_space<hbm>> -> memref<32x1536xf32, #tpu.memory_space<hbm>>
    %dma_start3A_626 = arith.constant 0 : i32
    %dma_start3A_627 = tpu.memref_slice %arg3[%dma_start3A_626, %multiple_of3A_623] : memref<32x1000000xf32, #tpu.memory_space<hbm>> -> memref<32x1536xf32, #tpu.memory_space<hbm>>
    tpu.enqueue_dma source(%arg4 : memref<32x1536xf32, #tpu.memory_space<vmem>>) target(%dma_start3A_627 : memref<32x1536xf32, #tpu.memory_space<hbm>>) target_semaphore(%arg9 : memref<!tpu.dma_semaphore, #tpu.memory_space<semaphore_mem>>)
    %add3A_628 = arith.constant 17 : i32
    %add3A_629 = arith.addi %select_n3A, %add3A_628 : i32
    %mul3A_630 = arith.constant 1536 : i32
    %mul3A_631 = arith.muli %add3A_629, %mul3A_630 : i32
    %multiple_of3A_632 = tpu.assume_multiple %mul3A_631, 128 : i32
    %dma_wait3A_633 = arith.constant 0 : i32
    %dma_wait3A_634 = tpu.memref_slice %arg2[%dma_wait3A_633, %multiple_of3A_632] : memref<32x1000000xf32, #tpu.memory_space<hbm>> -> memref<32x1536xf32, #tpu.memory_space<hbm>>
    %dma_wait3A_635 = arith.constant 0 : i32
    %dma_wait3A_636 = tpu.memref_slice %arg2[%dma_wait3A_635, %multiple_of3A_632] : memref<32x1000000xf32, #tpu.memory_space<hbm>> -> memref<32x1536xf32, #tpu.memory_space<hbm>>
    tpu.wait_dma2 semaphore(%arg8 : memref<!tpu.dma_semaphore, #tpu.memory_space<semaphore_mem>>) src(%dma_wait3A_636 : memref<32x1536xf32, #tpu.memory_space<hbm>>) dst(%arg5 : memref<32x1536xf32, #tpu.memory_space<vmem>>)
    %add3A_637 = arith.constant 16 : i32
    %add3A_638 = arith.addi %select_n3A, %add3A_637 : i32
    %mul3A_639 = arith.constant 1536 : i32
    %mul3A_640 = arith.muli %add3A_638, %mul3A_639 : i32
    %multiple_of3A_641 = tpu.assume_multiple %mul3A_640, 128 : i32
    %dma_wait3A_642 = arith.constant 0 : i32
    %dma_wait3A_643 = tpu.memref_slice %arg3[%dma_wait3A_642, %multiple_of3A_641] : memref<32x1000000xf32, #tpu.memory_space<hbm>> -> memref<32x1536xf32, #tpu.memory_space<hbm>>
    %dma_wait3A_644 = arith.constant 0 : i32
    %dma_wait3A_645 = tpu.memref_slice %arg3[%dma_wait3A_644, %multiple_of3A_641] : memref<32x1000000xf32, #tpu.memory_space<hbm>> -> memref<32x1536xf32, #tpu.memory_space<hbm>>
    tpu.wait_dma2 semaphore(%arg9 : memref<!tpu.dma_semaphore, #tpu.memory_space<semaphore_mem>>) src(%arg4 : memref<32x1536xf32, #tpu.memory_space<vmem>>) dst(%dma_wait3A_645 : memref<32x1536xf32, #tpu.memory_space<hbm>>)
    %add3A_646 = arith.constant 18 : i32
    %add3A_647 = arith.addi %select_n3A, %add3A_646 : i32
    %mul3A_648 = arith.constant 1536 : i32
    %mul3A_649 = arith.muli %add3A_647, %mul3A_648 : i32
    %multiple_of3A_650 = tpu.assume_multiple %mul3A_649, 128 : i32
    %dma_start3A_651 = arith.constant 0 : i32
    %dma_start3A_652 = tpu.memref_slice %arg2[%dma_start3A_651, %multiple_of3A_650] : memref<32x1000000xf32, #tpu.memory_space<hbm>> -> memref<32x1536xf32, #tpu.memory_space<hbm>>
    %dma_start3A_653 = arith.constant 0 : i32
    %dma_start3A_654 = tpu.memref_slice %arg2[%dma_start3A_653, %multiple_of3A_650] : memref<32x1000000xf32, #tpu.memory_space<hbm>> -> memref<32x1536xf32, #tpu.memory_space<hbm>>
    tpu.enqueue_dma source(%dma_start3A_654 : memref<32x1536xf32, #tpu.memory_space<hbm>>) target(%arg4 : memref<32x1536xf32, #tpu.memory_space<vmem>>) target_semaphore(%arg7 : memref<!tpu.dma_semaphore, #tpu.memory_space<semaphore_mem>>)
    %add3A_655 = arith.constant 17 : i32
    %add3A_656 = arith.addi %select_n3A, %add3A_655 : i32
    %mul3A_657 = arith.constant 1536 : i32
    %mul3A_658 = arith.muli %add3A_656, %mul3A_657 : i32
    %multiple_of3A_659 = tpu.assume_multiple %mul3A_658, 128 : i32
    %dma_start3A_660 = arith.constant 0 : i32
    %dma_start3A_661 = tpu.memref_slice %arg3[%dma_start3A_660, %multiple_of3A_659] : memref<32x1000000xf32, #tpu.memory_space<hbm>> -> memref<32x1536xf32, #tpu.memory_space<hbm>>
    %dma_start3A_662 = arith.constant 0 : i32
    %dma_start3A_663 = tpu.memref_slice %arg3[%dma_start3A_662, %multiple_of3A_659] : memref<32x1000000xf32, #tpu.memory_space<hbm>> -> memref<32x1536xf32, #tpu.memory_space<hbm>>
    tpu.enqueue_dma source(%arg5 : memref<32x1536xf32, #tpu.memory_space<vmem>>) target(%dma_start3A_663 : memref<32x1536xf32, #tpu.memory_space<hbm>>) target_semaphore(%arg10 : memref<!tpu.dma_semaphore, #tpu.memory_space<semaphore_mem>>)
    %add3A_664 = arith.constant 18 : i32
    %add3A_665 = arith.addi %select_n3A, %add3A_664 : i32
    %mul3A_666 = arith.constant 1536 : i32
    %mul3A_667 = arith.muli %add3A_665, %mul3A_666 : i32
    %multiple_of3A_668 = tpu.assume_multiple %mul3A_667, 128 : i32
    %dma_wait3A_669 = arith.constant 0 : i32
    %dma_wait3A_670 = tpu.memref_slice %arg2[%dma_wait3A_669, %multiple_of3A_668] : memref<32x1000000xf32, #tpu.memory_space<hbm>> -> memref<32x1536xf32, #tpu.memory_space<hbm>>
    %dma_wait3A_671 = arith.constant 0 : i32
    %dma_wait3A_672 = tpu.memref_slice %arg2[%dma_wait3A_671, %multiple_of3A_668] : memref<32x1000000xf32, #tpu.memory_space<hbm>> -> memref<32x1536xf32, #tpu.memory_space<hbm>>
    tpu.wait_dma2 semaphore(%arg7 : memref<!tpu.dma_semaphore, #tpu.memory_space<semaphore_mem>>) src(%dma_wait3A_672 : memref<32x1536xf32, #tpu.memory_space<hbm>>) dst(%arg4 : memref<32x1536xf32, #tpu.memory_space<vmem>>)
    %add3A_673 = arith.constant 17 : i32
    %add3A_674 = arith.addi %select_n3A, %add3A_673 : i32
    %mul3A_675 = arith.constant 1536 : i32
    %mul3A_676 = arith.muli %add3A_674, %mul3A_675 : i32
    %multiple_of3A_677 = tpu.assume_multiple %mul3A_676, 128 : i32
    %dma_wait3A_678 = arith.constant 0 : i32
    %dma_wait3A_679 = tpu.memref_slice %arg3[%dma_wait3A_678, %multiple_of3A_677] : memref<32x1000000xf32, #tpu.memory_space<hbm>> -> memref<32x1536xf32, #tpu.memory_space<hbm>>
    %dma_wait3A_680 = arith.constant 0 : i32
    %dma_wait3A_681 = tpu.memref_slice %arg3[%dma_wait3A_680, %multiple_of3A_677] : memref<32x1000000xf32, #tpu.memory_space<hbm>> -> memref<32x1536xf32, #tpu.memory_space<hbm>>
    tpu.wait_dma2 semaphore(%arg10 : memref<!tpu.dma_semaphore, #tpu.memory_space<semaphore_mem>>) src(%arg5 : memref<32x1536xf32, #tpu.memory_space<vmem>>) dst(%dma_wait3A_681 : memref<32x1536xf32, #tpu.memory_space<hbm>>)
    %add3A_682 = arith.constant 19 : i32
    %add3A_683 = arith.addi %select_n3A, %add3A_682 : i32
    %mul3A_684 = arith.constant 1536 : i32
    %mul3A_685 = arith.muli %add3A_683, %mul3A_684 : i32
    %multiple_of3A_686 = tpu.assume_multiple %mul3A_685, 128 : i32
    %dma_start3A_687 = arith.constant 0 : i32
    %dma_start3A_688 = tpu.memref_slice %arg2[%dma_start3A_687, %multiple_of3A_686] : memref<32x1000000xf32, #tpu.memory_space<hbm>> -> memref<32x1536xf32, #tpu.memory_space<hbm>>
    %dma_start3A_689 = arith.constant 0 : i32
    %dma_start3A_690 = tpu.memref_slice %arg2[%dma_start3A_689, %multiple_of3A_686] : memref<32x1000000xf32, #tpu.memory_space<hbm>> -> memref<32x1536xf32, #tpu.memory_space<hbm>>
    tpu.enqueue_dma source(%dma_start3A_690 : memref<32x1536xf32, #tpu.memory_space<hbm>>) target(%arg5 : memref<32x1536xf32, #tpu.memory_space<vmem>>) target_semaphore(%arg8 : memref<!tpu.dma_semaphore, #tpu.memory_space<semaphore_mem>>)
    %add3A_691 = arith.constant 18 : i32
    %add3A_692 = arith.addi %select_n3A, %add3A_691 : i32
    %mul3A_693 = arith.constant 1536 : i32
    %mul3A_694 = arith.muli %add3A_692, %mul3A_693 : i32
    %multiple_of3A_695 = tpu.assume_multiple %mul3A_694, 128 : i32
    %dma_start3A_696 = arith.constant 0 : i32
    %dma_start3A_697 = tpu.memref_slice %arg3[%dma_start3A_696, %multiple_of3A_695] : memref<32x1000000xf32, #tpu.memory_space<hbm>> -> memref<32x1536xf32, #tpu.memory_space<hbm>>
    %dma_start3A_698 = arith.constant 0 : i32
    %dma_start3A_699 = tpu.memref_slice %arg3[%dma_start3A_698, %multiple_of3A_695] : memref<32x1000000xf32, #tpu.memory_space<hbm>> -> memref<32x1536xf32, #tpu.memory_space<hbm>>
    tpu.enqueue_dma source(%arg4 : memref<32x1536xf32, #tpu.memory_space<vmem>>) target(%dma_start3A_699 : memref<32x1536xf32, #tpu.memory_space<hbm>>) target_semaphore(%arg9 : memref<!tpu.dma_semaphore, #tpu.memory_space<semaphore_mem>>)
    %add3A_700 = arith.constant 19 : i32
    %add3A_701 = arith.addi %select_n3A, %add3A_700 : i32
    %mul3A_702 = arith.constant 1536 : i32
    %mul3A_703 = arith.muli %add3A_701, %mul3A_702 : i32
    %multiple_of3A_704 = tpu.assume_multiple %mul3A_703, 128 : i32
    %dma_wait3A_705 = arith.constant 0 : i32
    %dma_wait3A_706 = tpu.memref_slice %arg2[%dma_wait3A_705, %multiple_of3A_704] : memref<32x1000000xf32, #tpu.memory_space<hbm>> -> memref<32x1536xf32, #tpu.memory_space<hbm>>
    %dma_wait3A_707 = arith.constant 0 : i32
    %dma_wait3A_708 = tpu.memref_slice %arg2[%dma_wait3A_707, %multiple_of3A_704] : memref<32x1000000xf32, #tpu.memory_space<hbm>> -> memref<32x1536xf32, #tpu.memory_space<hbm>>
    tpu.wait_dma2 semaphore(%arg8 : memref<!tpu.dma_semaphore, #tpu.memory_space<semaphore_mem>>) src(%dma_wait3A_708 : memref<32x1536xf32, #tpu.memory_space<hbm>>) dst(%arg5 : memref<32x1536xf32, #tpu.memory_space<vmem>>)
    %add3A_709 = arith.constant 18 : i32
    %add3A_710 = arith.addi %select_n3A, %add3A_709 : i32
    %mul3A_711 = arith.constant 1536 : i32
    %mul3A_712 = arith.muli %add3A_710, %mul3A_711 : i32
    %multiple_of3A_713 = tpu.assume_multiple %mul3A_712, 128 : i32
    %dma_wait3A_714 = arith.constant 0 : i32
    %dma_wait3A_715 = tpu.memref_slice %arg3[%dma_wait3A_714, %multiple_of3A_713] : memref<32x1000000xf32, #tpu.memory_space<hbm>> -> memref<32x1536xf32, #tpu.memory_space<hbm>>
    %dma_wait3A_716 = arith.constant 0 : i32
    %dma_wait3A_717 = tpu.memref_slice %arg3[%dma_wait3A_716, %multiple_of3A_713] : memref<32x1000000xf32, #tpu.memory_space<hbm>> -> memref<32x1536xf32, #tpu.memory_space<hbm>>
    tpu.wait_dma2 semaphore(%arg9 : memref<!tpu.dma_semaphore, #tpu.memory_space<semaphore_mem>>) src(%arg4 : memref<32x1536xf32, #tpu.memory_space<vmem>>) dst(%dma_wait3A_717 : memref<32x1536xf32, #tpu.memory_space<hbm>>)
    %add3A_718 = arith.constant 20 : i32
    %add3A_719 = arith.addi %select_n3A, %add3A_718 : i32
    %mul3A_720 = arith.constant 1536 : i32
    %mul3A_721 = arith.muli %add3A_719, %mul3A_720 : i32
    %multiple_of3A_722 = tpu.assume_multiple %mul3A_721, 128 : i32
    %dma_start3A_723 = arith.constant 0 : i32
    %dma_start3A_724 = tpu.memref_slice %arg2[%dma_start3A_723, %multiple_of3A_722] : memref<32x1000000xf32, #tpu.memory_space<hbm>> -> memref<32x1536xf32, #tpu.memory_space<hbm>>
    %dma_start3A_725 = arith.constant 0 : i32
    %dma_start3A_726 = tpu.memref_slice %arg2[%dma_start3A_725, %multiple_of3A_722] : memref<32x1000000xf32, #tpu.memory_space<hbm>> -> memref<32x1536xf32, #tpu.memory_space<hbm>>
    tpu.enqueue_dma source(%dma_start3A_726 : memref<32x1536xf32, #tpu.memory_space<hbm>>) target(%arg4 : memref<32x1536xf32, #tpu.memory_space<vmem>>) target_semaphore(%arg7 : memref<!tpu.dma_semaphore, #tpu.memory_space<semaphore_mem>>)
    %add3A_727 = arith.constant 19 : i32
    %add3A_728 = arith.addi %select_n3A, %add3A_727 : i32
    %mul3A_729 = arith.constant 1536 : i32
    %mul3A_730 = arith.muli %add3A_728, %mul3A_729 : i32
    %multiple_of3A_731 = tpu.assume_multiple %mul3A_730, 128 : i32
    %dma_start3A_732 = arith.constant 0 : i32
    %dma_start3A_733 = tpu.memref_slice %arg3[%dma_start3A_732, %multiple_of3A_731] : memref<32x1000000xf32, #tpu.memory_space<hbm>> -> memref<32x1536xf32, #tpu.memory_space<hbm>>
    %dma_start3A_734 = arith.constant 0 : i32
    %dma_start3A_735 = tpu.memref_slice %arg3[%dma_start3A_734, %multiple_of3A_731] : memref<32x1000000xf32, #tpu.memory_space<hbm>> -> memref<32x1536xf32, #tpu.memory_space<hbm>>
    tpu.enqueue_dma source(%arg5 : memref<32x1536xf32, #tpu.memory_space<vmem>>) target(%dma_start3A_735 : memref<32x1536xf32, #tpu.memory_space<hbm>>) target_semaphore(%arg10 : memref<!tpu.dma_semaphore, #tpu.memory_space<semaphore_mem>>)
    %add3A_736 = arith.constant 20 : i32
    %add3A_737 = arith.addi %select_n3A, %add3A_736 : i32
    %mul3A_738 = arith.constant 1536 : i32
    %mul3A_739 = arith.muli %add3A_737, %mul3A_738 : i32
    %multiple_of3A_740 = tpu.assume_multiple %mul3A_739, 128 : i32
    %dma_wait3A_741 = arith.constant 0 : i32
    %dma_wait3A_742 = tpu.memref_slice %arg2[%dma_wait3A_741, %multiple_of3A_740] : memref<32x1000000xf32, #tpu.memory_space<hbm>> -> memref<32x1536xf32, #tpu.memory_space<hbm>>
    %dma_wait3A_743 = arith.constant 0 : i32
    %dma_wait3A_744 = tpu.memref_slice %arg2[%dma_wait3A_743, %multiple_of3A_740] : memref<32x1000000xf32, #tpu.memory_space<hbm>> -> memref<32x1536xf32, #tpu.memory_space<hbm>>
    tpu.wait_dma2 semaphore(%arg7 : memref<!tpu.dma_semaphore, #tpu.memory_space<semaphore_mem>>) src(%dma_wait3A_744 : memref<32x1536xf32, #tpu.memory_space<hbm>>) dst(%arg4 : memref<32x1536xf32, #tpu.memory_space<vmem>>)
    %add3A_745 = arith.constant 19 : i32
    %add3A_746 = arith.addi %select_n3A, %add3A_745 : i32
    %mul3A_747 = arith.constant 1536 : i32
    %mul3A_748 = arith.muli %add3A_746, %mul3A_747 : i32
    %multiple_of3A_749 = tpu.assume_multiple %mul3A_748, 128 : i32
    %dma_wait3A_750 = arith.constant 0 : i32
    %dma_wait3A_751 = tpu.memref_slice %arg3[%dma_wait3A_750, %multiple_of3A_749] : memref<32x1000000xf32, #tpu.memory_space<hbm>> -> memref<32x1536xf32, #tpu.memory_space<hbm>>
    %dma_wait3A_752 = arith.constant 0 : i32
    %dma_wait3A_753 = tpu.memref_slice %arg3[%dma_wait3A_752, %multiple_of3A_749] : memref<32x1000000xf32, #tpu.memory_space<hbm>> -> memref<32x1536xf32, #tpu.memory_space<hbm>>
    tpu.wait_dma2 semaphore(%arg10 : memref<!tpu.dma_semaphore, #tpu.memory_space<semaphore_mem>>) src(%arg5 : memref<32x1536xf32, #tpu.memory_space<vmem>>) dst(%dma_wait3A_753 : memref<32x1536xf32, #tpu.memory_space<hbm>>)
    %add3A_754 = arith.constant 20 : i32
    %add3A_755 = arith.addi %select_n3A, %add3A_754 : i32
    %mul3A_756 = arith.constant 1536 : i32
    %mul3A_757 = arith.muli %add3A_755, %mul3A_756 : i32
    %multiple_of3A_758 = tpu.assume_multiple %mul3A_757, 128 : i32
    %dma_start3A_759 = arith.constant 0 : i32
    %dma_start3A_760 = tpu.memref_slice %arg3[%dma_start3A_759, %multiple_of3A_758] : memref<32x1000000xf32, #tpu.memory_space<hbm>> -> memref<32x1536xf32, #tpu.memory_space<hbm>>
    %dma_start3A_761 = arith.constant 0 : i32
    %dma_start3A_762 = tpu.memref_slice %arg3[%dma_start3A_761, %multiple_of3A_758] : memref<32x1000000xf32, #tpu.memory_space<hbm>> -> memref<32x1536xf32, #tpu.memory_space<hbm>>
    tpu.enqueue_dma source(%arg4 : memref<32x1536xf32, #tpu.memory_space<vmem>>) target(%dma_start3A_762 : memref<32x1536xf32, #tpu.memory_space<hbm>>) target_semaphore(%arg9 : memref<!tpu.dma_semaphore, #tpu.memory_space<semaphore_mem>>)
    %eq3A = arith.constant 0 : i32
    %eq3A_763 = arith.cmpi eq, %add3A, %eq3A : i32
    %convert_element_type3A = arith.extui %eq3A_763 : i1 to i32
    %cond3A = arith.constant 0 : i32
    %cond3A_764 = arith.cmpi ne, %convert_element_type3A, %cond3A : i32
    scf.if %cond3A_764 {
      %dma_start3A_774 = arith.constant 0 : i32
      %dma_start3A_775 = arith.constant 999936 : i32
      %dma_start3A_776 = tpu.memref_slice %arg2[%dma_start3A_774, %dma_start3A_775] : memref<32x1000000xf32, #tpu.memory_space<hbm>> -> memref<32x64xf32, #tpu.memory_space<hbm>>
      %dma_start3A_777 = arith.constant 0 : i32
      %dma_start3A_778 = arith.constant 999936 : i32
      %dma_start3A_779 = tpu.memref_slice %arg2[%dma_start3A_777, %dma_start3A_778] : memref<32x1000000xf32, #tpu.memory_space<hbm>> -> memref<32x64xf32, #tpu.memory_space<hbm>>
      tpu.enqueue_dma source(%dma_start3A_779 : memref<32x64xf32, #tpu.memory_space<hbm>>) target(%arg6 : memref<32x64xf32, #tpu.memory_space<vmem>>) target_semaphore(%arg11 : memref<!tpu.dma_semaphore, #tpu.memory_space<semaphore_mem>>)
      %dma_wait3A_780 = arith.constant 0 : i32
      %dma_wait3A_781 = arith.constant 999936 : i32
      %dma_wait3A_782 = tpu.memref_slice %arg2[%dma_wait3A_780, %dma_wait3A_781] : memref<32x1000000xf32, #tpu.memory_space<hbm>> -> memref<32x64xf32, #tpu.memory_space<hbm>>
      %dma_wait3A_783 = arith.constant 0 : i32
      %dma_wait3A_784 = arith.constant 999936 : i32
      %dma_wait3A_785 = tpu.memref_slice %arg2[%dma_wait3A_783, %dma_wait3A_784] : memref<32x1000000xf32, #tpu.memory_space<hbm>> -> memref<32x64xf32, #tpu.memory_space<hbm>>
      tpu.wait_dma2 semaphore(%arg11 : memref<!tpu.dma_semaphore, #tpu.memory_space<semaphore_mem>>) src(%dma_wait3A_785 : memref<32x64xf32, #tpu.memory_space<hbm>>) dst(%arg6 : memref<32x64xf32, #tpu.memory_space<vmem>>)
      %dma_start3A_786 = arith.constant 0 : i32
      %dma_start3A_787 = arith.constant 999936 : i32
      %dma_start3A_788 = tpu.memref_slice %arg3[%dma_start3A_786, %dma_start3A_787] : memref<32x1000000xf32, #tpu.memory_space<hbm>> -> memref<32x64xf32, #tpu.memory_space<hbm>>
      %dma_start3A_789 = arith.constant 0 : i32
      %dma_start3A_790 = arith.constant 999936 : i32
      %dma_start3A_791 = tpu.memref_slice %arg3[%dma_start3A_789, %dma_start3A_790] : memref<32x1000000xf32, #tpu.memory_space<hbm>> -> memref<32x64xf32, #tpu.memory_space<hbm>>
      tpu.enqueue_dma source(%arg6 : memref<32x64xf32, #tpu.memory_space<vmem>>) target(%dma_start3A_791 : memref<32x64xf32, #tpu.memory_space<hbm>>) target_semaphore(%arg11 : memref<!tpu.dma_semaphore, #tpu.memory_space<semaphore_mem>>)
      %dma_wait3A_792 = arith.constant 0 : i32
      %dma_wait3A_793 = arith.constant 999936 : i32
      %dma_wait3A_794 = tpu.memref_slice %arg3[%dma_wait3A_792, %dma_wait3A_793] : memref<32x1000000xf32, #tpu.memory_space<hbm>> -> memref<32x64xf32, #tpu.memory_space<hbm>>
      %dma_wait3A_795 = arith.constant 0 : i32
      %dma_wait3A_796 = arith.constant 999936 : i32
      %dma_wait3A_797 = tpu.memref_slice %arg3[%dma_wait3A_795, %dma_wait3A_796] : memref<32x1000000xf32, #tpu.memory_space<hbm>> -> memref<32x64xf32, #tpu.memory_space<hbm>>
      tpu.wait_dma2 semaphore(%arg11 : memref<!tpu.dma_semaphore, #tpu.memory_space<semaphore_mem>>) src(%arg6 : memref<32x64xf32, #tpu.memory_space<vmem>>) dst(%dma_wait3A_797 : memref<32x64xf32, #tpu.memory_space<hbm>>)
    } else {
    }
    %add3A_765 = arith.constant 20 : i32
    %add3A_766 = arith.addi %select_n3A, %add3A_765 : i32
    %mul3A_767 = arith.constant 1536 : i32
    %mul3A_768 = arith.muli %add3A_766, %mul3A_767 : i32
    %multiple_of3A_769 = tpu.assume_multiple %mul3A_768, 128 : i32
    %dma_wait3A_770 = arith.constant 0 : i32
    %dma_wait3A_771 = tpu.memref_slice %arg3[%dma_wait3A_770, %multiple_of3A_769] : memref<32x1000000xf32, #tpu.memory_space<hbm>> -> memref<32x1536xf32, #tpu.memory_space<hbm>>
    %dma_wait3A_772 = arith.constant 0 : i32
    %dma_wait3A_773 = tpu.memref_slice %arg3[%dma_wait3A_772, %multiple_of3A_769] : memref<32x1000000xf32, #tpu.memory_space<hbm>> -> memref<32x1536xf32, #tpu.memory_space<hbm>>
    tpu.wait_dma2 semaphore(%arg9 : memref<!tpu.dma_semaphore, #tpu.memory_space<semaphore_mem>>) src(%arg4 : memref<32x1536xf32, #tpu.memory_space<vmem>>) dst(%dma_wait3A_773 : memref<32x1536xf32, #tpu.memory_space<hbm>>)
    return
  }
}

</mosaic_0001>

<sc_bundles>
// kernel: kernel.3.cloned.1.call-start
scs
__scs_entry_jumppad:
0x0: {  	(pc) =	sbr.rel $0x88, $3  }
0x1: {  	(tag) =	ssettag $0x0;
	lr =	simm.s32 $0x1  }
0x2: {  	[smem:$0x3FA0] =	sst lr;
	_ =	strace $0xD0000000  }
0x3: {  	_ = 	snop  }
0x4: {  	_ = 	snop  }
0x5: {  	_ = 	snop  }
0x6: {  	_ = 	snop  }
0x7: {  	_ = 	snop  }
__scs_overlays_trampoline_lowered:
0x8: {  	[smem:$0x3FAF] =	sst s0  }
0x9: {  	[smem:$0x3FB0] =	sst s1  }
0xa: {  	[smem:$0x3FB1] =	sst s2  }
0xb: {  	[smem:$0x3FB2] =	sst s3  }
0xc: {  	[smem:$0x3FB3] =	sst s4  }
0xd: {  	[smem:$0x3FB4] =	sst s5  }
0xe: {  	[smem:$0x3FB5] =	sst s6  }
0xf: {  	[smem:$0x3FB6] =	sst s7  }
0x10: {  	[smem:$0x3FB7] =	sst s8  }
0x11: {  	[smem:$0x3FB8] =	sst s9;
	s0 =	simm.s32 @!p0 $0x0  }
0x12: {  	s1 =	sld [smem:$0x3F9E];
	s0 =	simm.s32 @p0 $0x1  }
0x13: {  	[smem:$0x3FB9] =	sst s0;
	s0 =	simm.s32 @!p1 $0x0  }
0x14: {  	s2 =	sld [smem:$0x3F9D];
	s0 =	simm.s32 @p1 $0x1  }
0x15: {  	[smem:$0x3FBA] =	sst s0;
	s0 =	simm.s32 @!p2 $0x0  }
0x16: {  	s3 =	sld [smem:$0x3FDB];
	s0 =	simm.s32 @p2 $0x1  }
0x17: {  	s4 =	simm.s32 $0x1BF5;
	[smem:$0x3FBC] =	sst s0  }
0x18: {  	s0 =	sld [smem:$0x3F9F];
	_ =	swait.ge [sflag:s4], $0x0  }
0x19: {  	s7 =	sld [smem:$0x3FA0]  }
0x1a: {  	s8 =	sadd.s32 $0xFFFFE003, lr  }
0x1b: {  	s9 =	sadd.s32 $0xFFFFFEF7, lr;
	s5 =	simm.s32 $0xFFFFFFFF;
	p2 =	slt.u32 s8, $0xFFFFF086  }
0x1c: {  	p1 =	slt.u32 s9, $0xF7A;
	s5 =	simm.s32 @!p2 $0x0  }
0x1d: {  	s5 =	simm.s32 @p1 $0x1;
	p0 =	seq.s32 s7, s2  }
0x1e: {  	s7 =	smul.u32 @!p0 $0xF7A, s2;
	p2 =	seq.s32 @!p0 s5, $0x0  }
0x1f: {  	s9 =	smul.u32 $0xF7A, s1;
	s8 =	simm.s32 @!p0 $0x1BF5;
	p2 =	por !p2, p0  }
0x20: {  	[sflag:s8] =	ssyncset.s32 @!p0 $0xFFFFF086;
	s6 =	sadd.s32 @!p0 s3, s7;
	s7 =	simm.s32 @!p0 $0x108  }
0x21: {  	s3 =	sadd.s32 s3, s9;
	s6 =	sadd.s32 @!p0 $0x88, s6;
	s7 =	simm.s32 @p2 $0x1082  }
0x22: {  	[simem:s7], [sflag:s8] =	dma.local @!p0 [hbm:s6], $0xF7A  }
0x23: {  	s9 =	sor.u32 $0xD0000000, s2;
	s6 =	simm.s32 $0x108;
	_ =	swait.ge @!p0 [sflag:s8], $0x0  }
0x24: {  	s3 =	sadd.s32 $0x88, s3;
	s6 =	simm.s32 @!p1 $0x1082;
	[sflag:s4] =	ssyncset.s32 $0xFFFFF086  }
0x25: {  	[simem:s6], [sflag:s4] =	dma.local [hbm:s3], $0xF7A  }
0x26: {  	[smem:$0x3FA0] =	sst s1;
	(tag) =	ssettag s2;
	_ =	strace s9  }
0x27: {  	s1 =	sld [smem:$0x3FB0]  }
0x28: {  	s2 =	sld [smem:$0x3FB1]  }
0x29: {  	s4 =	sld [smem:$0x3FB3]  }
0x2a: {  	p0 =	seq.s32 s5, $0x0;
	s5 =	sld [smem:$0x3FB4]  }
0x2b: {  	s6 =	sld [smem:$0x3FB5]  }
0x2c: {  	s7 =	sld [smem:$0x3FB6]  }
0x2d: {  	s3 =	simm.s32 $0x108;
	s8 =	sld [smem:$0x3FB7]  }
0x2e: {  	s3 =	simm.s32 @!p0 $0x1082;
	s9 =	sld [smem:$0x3FB8]  }
0x2f: {  	lr =	sadd.s32 s0, s3;
	s0 =	sld [smem:$0x3FAF]  }
0x30: {  	s3 =	sld [smem:$0x3FB2]  }
0x31: {  	[smem:$0x3FBB] =	sst s10  }
0x32: {  	s10 =	sld [smem:$0x3FB9];
	_ =	sdelay $0x3  }
0x33: {  	p0 =	seq.s32 s10, $0x1;
	s10 =	sld [smem:$0x3FBB];
	_ =	sdelay $0x3  }
0x34: {  	[smem:$0x3FBB] =	sst s10  }
0x35: {  	s10 =	sld [smem:$0x3FBA];
	_ =	sdelay $0x3  }
0x36: {  	p1 =	seq.s32 s10, $0x1;
	s10 =	sld [smem:$0x3FBB];
	_ =	sdelay $0x3  }
0x37: {  	[smem:$0x3FBB] =	sst s10  }
0x38: {  	s10 =	sld [smem:$0x3FBC]  }
0x39: {  	_ = 	snop;
	(pc) =	sbr.ind lr, $3  }
0x3a: {  	_ = 	snop  }
0x3b: {  	_ = 	snop  }
0x3c: {  	p2 =	seq.s32 s10, $0x1;
	s10 =	sld [smem:$0x3FBB]  }
0x3d: {  	_ =	shalt  }
0x3e: {  	_ =	shalt  }
0x3f: {  	_ =	shalt  }
0x40: {  	_ =	shalt  }
0x41: {  	_ =	shalt  }
0x42: {  	_ =	shalt  }
0x43: {  	_ =	shalt  }
0x44: {  	_ =	shalt  }
0x45: {  	_ =	shalt  }
0x46: {  	_ =	shalt  }
0x47: {  	_ =	shalt  }
0x48: {  	_ =	shalt  }
0x49: {  	_ =	shalt  }
0x4a: {  	_ =	shalt  }
0x4b: {  	_ =	shalt  }
0x4c: {  	_ =	shalt  }
0x4d: {  	_ =	shalt  }
0x4e: {  	_ =	shalt  }
0x4f: {  	_ =	shalt  }
0x50: {  	_ =	shalt  }
0x51: {  	_ =	shalt  }
0x52: {  	_ =	shalt  }
0x53: {  	_ =	shalt  }
0x54: {  	_ =	shalt  }
0x55: {  	_ =	shalt  }
0x56: {  	_ =	shalt  }
0x57: {  	_ =	shalt  }
0x58: {  	_ =	shalt  }
0x59: {  	_ =	shalt  }
0x5a: {  	_ =	shalt  }
0x5b: {  	_ =	shalt  }
0x5c: {  	_ =	shalt  }
0x5d: {  	_ =	shalt  }
0x5e: {  	_ =	shalt  }
0x5f: {  	_ =	shalt  }
0x60: {  	_ =	shalt  }
0x61: {  	_ =	shalt  }
0x62: {  	_ =	shalt  }
0x63: {  	_ =	shalt  }
0x64: {  	_ =	shalt  }
0x65: {  	_ =	shalt  }
0x66: {  	_ =	shalt  }
0x67: {  	_ =	shalt  }
0x68: {  	_ =	shalt  }
0x69: {  	_ =	shalt  }
0x6a: {  	_ =	shalt  }
0x6b: {  	_ =	shalt  }
0x6c: {  	_ =	shalt  }
0x6d: {  	_ =	shalt  }
0x6e: {  	_ =	shalt  }
0x6f: {  	_ =	shalt  }
0x70: {  	_ =	shalt  }
0x71: {  	_ =	shalt  }
0x72: {  	_ =	shalt  }
0x73: {  	_ =	shalt  }
0x74: {  	_ =	shalt  }
0x75: {  	_ =	shalt  }
0x76: {  	_ =	shalt  }
0x77: {  	_ =	shalt  }
0x78: {  	_ =	shalt  }
0x79: {  	_ =	shalt  }
0x7a: {  	_ =	shalt  }
0x7b: {  	_ =	shalt  }
0x7c: {  	_ =	shalt  }
0x7d: {  	_ =	shalt  }
0x7e: {  	_ =	shalt  }
0x7f: {  	_ =	shalt  }
0x80: {  	_ =	shalt  }
0x81: {  	_ =	shalt  }
0x82: {  	_ =	shalt  }
0x83: {  	_ =	shalt  }
0x84: {  	_ =	shalt  }
0x85: {  	_ =	shalt  }
0x86: {  	_ =	shalt  }
0x87: {  	_ =	shalt  }
.Lfunc_end0:
.L_simem_size_0:
called_computation_lowered:
.L_overlay_start_0:
0x88: {  	s2 =	sld [smem:$0x3FD9]  }
0x89: {  	s3 =	sld [smem:$0x3FFE];
	_ =	sdelay $0x1  }
0x8a: {  	s1 =	srdreg.scid  }
0x8b: {  	s0 =	sand.u32 $0x1, s1  }
0x8c: {  	s18 =	sshll.u32 s0, $0xA;
	s2 =	sadd.s32 s3, s2  }
0x8d: {  	s2 =	sadd.s32 s2, s18  }
0x8e: {  	[smem:$0x3FC7] =	sst s2  }
0x8f: {  	_ = 	snop  }
0x90: {  	s2 =	sld [smem:$0x3FC9]  }
0x91: {  	s19 =	sld [smem:$0x3FD0];
	(tm) =	ssettm $0x1  }
0x92: {  	s4 =	sld [smem:$0x3FFB];
	_ =	sdelay $0x3  }
0x93: {  	_ =	strace s4  }
0x94: {  	s4 =	sld [smem:$0x3FFC];
	_ =	sdelay $0x3  }
0x95: {  	_ =	strace s4  }
0x96: {  	s4 =	sld [smem:$0x3FFD];
	_ =	sdelay $0x3  }
0x97: {  	_ =	strace s4  }
0x98: {  	_ =	strace $0x8FFFFFFF  }
0x99: {  	s20 =	sld [smem:$0x3FDB];
	_ =	sdelay $0x1  }
0x9a: {  	s5 =	simm.s32 $_scs_section_size  }
0x9b: {  	s6 =	simm.s32 $_size__tile_overlayer_lowered;
	s7 =	simm.s32 $_tile_overlayer_lowered  }
0x9c: {  	s23 =	simm.s32 $0x1BFF;
	s22 =	sshll.u32 s7, $0x1;
	s4 =	sadd.s32 s5, s20  }
0x9d: {  	s8 =	simm.s32 $0x0;
	s21 =	sshll.u32 s6, $0x1;
	s6 =	sadd.s32 s22, s4  }
0x9e: {  	[timem:s8], [sflag:s23] =	dma.local [hbm:s6], s21  }
0x9f: {  	_ =	swait.ge [sflag:s23], s21  }
0xa0: {  	s5 =	ssub.s32 $0x0, s21;
	[sflag:s23] =	ssyncset.done $0x0  }
0xa1: {  	[sflag:s23] =	ssyncadd.s32 s5;
	_ =	sdelay $0x1  }
0xa2: {  	s24 =	simm.s32 $0x1B8B  }
0xa3: {  	_ =	swait.ge [sflag:s24], $0x1  }
0xa4: {  	[sflag:s24] =	ssyncset.done $0x0  }
0xa5: {  	s25 =	simm.s32 $0x1B8E;
	[sflag:s24] =	ssyncadd.s32 $0xFFFFFFFF  }
0xa6: {  	s26 =	simm.s32 $execute0_lowered;
	[smem:$0x3FD2] =	sst s25  }
0xa7: {  	s5 =	sshll.u32 s26, $0x1;
	_ =	strace $0x80000046;
	[dreg:$0x1] =	wrdreg $0xFFFFFFFF  }
0xa8: {  	s28 =	simm.s32 $_size_execute0_lowered;
	s4 =	sadd.s32 s4, s5;
	[dreg:$0x0] =	wrdreg $0x0  }
0xa9: {  	s5 =	sshll.u32 s28, $0x1;
	[dreg:$0x2] =	wrdreg s4  }
0xaa: {  	[dreg:$0x3] =	wrdreg s5  }
0xab: {  	[dreg:$0x4] =	wrdreg $0xC0  }
0xac: {  	_ =	task [dreg:s8], $0x5FFFF  }
0xad: {  	[dreg:$0x1] =	wrdreg $0xFFFFFFFF  }
0xae: {  	[dreg:$0x0] =	wrdreg $0x60  }
0xaf: {  	[dreg:$0x2] =	wrdreg s2  }
0xb0: {  	[dreg:$0x3] =	wrdreg s19  }
0xb1: {  	[dreg:$0x4] =	wrdreg $0x9  }
0xb2: {  	_ =	task.clear_ibuf [dreg:s8], $0x5FFFF;
	_ =	strace $0x90000046  }
0xb3: {  	s29 =	simm.s32 $0x9;
	_ =	strace $0x80000048  }
0xb4: {  	_ =	swait.ge [sflag:s29], $0x1  }
0xb5: {  	[sflag:s29] =	ssyncadd.s32 $0xFFFFFFFF  }
0xb6: {  	_ =	strace $0x90000048  }
0xb7: {  	_ =	sfence  }
0xb8: {  	s30 =	sld [smem:$0x0];
	_ =	sdelay $0x2  }
0xb9: {  	s31 =	sshll.u32 s1, $0xD;
	s1 =	sshrl.u32 s1, $0x2  }
0xba: {  	s3 =	sand.u32 $0x4000, s31;
	s1 =	sadd.s32 s1, s30  }
0xbb: {  	s0 =	sor.u32 s3, s0;
	s1 =	sshll.u32 s1, $0x11  }
0xbc: {  	s0 =	sor.u32 s1, s0  }
0xbd: {  	s0 =	sadd.s32 $0x8F2B, s0  }
0xbe: {  	[sflag:s0] =	ssyncadd.remote.s32 $0x1  }
0xbf: {  	_ =	sfence.sel $0xFFFF  }
0xc0: {  	[dreg:$0x0] =	wrdreg $0xFFFFFFFF;
	(pc) =	sbr.abs _section_cstart, $3  }
0xc1: {  	[dreg:$0x1] =	wrdreg $0xFFFFFFFF  }
0xc2: {  	_ =	task.clear_ibuf [dreg:s8], $0x2FFFF;
	_ =	strace $0x9FFFFFFF  }
0xc3: {  	(tm) =	ssettm $0x7FFFFFFF  }
tec
execute0_lowered:
.L_overlay_start_1:
0x0: {  	(tag) =	ssettag $0x1  }
0x1: {  	s0 =	srdreg.scid;
	s28 =	stileid.u32  }
0x2: {  	s6 =	sand.u32 $0x1, s0;
	s9 =	sshll.u32 s28, $0x1  }
0x3: {  	s1 =	sor.u32 s6, s9  }
0x4: {  	s0 =	smul.u32 $0xA295D6, s1;
	_ =	sdelay $0x1  }
0x5: {  	s0 =	sshrl.u32 s0, $0x13  }
0x6: {  	s3 =	rddreg [dreg:$0x0];
	s4 =	smul.u32 $0x3000, s0  }
0x7: {  	s5 =	rddreg [dreg:$0x1];
	s2 =	simm.s32 $0x0;
	s0 =	smul.u32 $0x600, s0  }
0x8: {  	[smem:$0x7FF] =	sst s2  }
0x9: {  	s29 =	rddreg [dreg:$0x2];
	_ =	strace $0x80000047;
	s7 =	sadd.s32 s3, s0  }
0xa: {  	s4 =	sshrl.u32 s4, $0x3;
	s0 =	sadd.s32 s5, s0;
	[dreg:$0x3] =	wrdreg s7  }
0xb: {  	s8 =	sadd.s32 $0x600, s4;
	[dreg:$0x5] =	wrdreg s0  }
0xc: {  	s11 =	sadd.s32 $0xC00, s4;
	s10 =	sadd.s32 s3, s8;
	s0 =	rddreg [dreg:$0x3]  }
0xd: {  	s12 =	sadd.s32 s3, s11;
	[dreg:$0x4] =	wrdreg s10  }
0xe: {  	s14 =	sadd.s32 $0x1200, s4;
	s13 =	sadd.s32 s5, s8;
	[dreg:$0x6] =	wrdreg s12  }
0xf: {  	s15 =	sadd.s32 s3, s14;
	[dreg:$0x7] =	wrdreg s13  }
0x10: {  	s17 =	sadd.s32 $0x1800, s4;
	s16 =	sadd.s32 s5, s11;
	[dreg:$0x8] =	wrdreg s15  }
0x11: {  	p1 =	por $0x0, $0x0;
	s18 =	sadd.s32 s3, s17;
	[dreg:$0x9] =	wrdreg s16  }
0x12: {  	s20 =	sadd.s32 $0x1E00, s4;
	s19 =	sadd.s32 s5, s14;
	[dreg:$0xa] =	wrdreg s18  }
0x13: {  	s6 =	ssub.s32 $0x2, s6;
	s21 =	sadd.s32 s3, s20;
	[dreg:$0xb] =	wrdreg s19  }
0x14: {  	s23 =	sadd.s32 $0x2400, s4;
	s22 =	sadd.s32 s5, s17;
	[dreg:$0xc] =	wrdreg s21  }
0x15: {  	p0 =	sne.s32 s1, $0x0;
	s24 =	sadd.s32 s3, s23;
	[dreg:$0xd] =	wrdreg s22  }
0x16: {  	s26 =	sadd.s32 $0x2A00, s4;
	s25 =	sadd.s32 s5, s20;
	[dreg:$0xe] =	wrdreg s24  }
0x17: {  	s9 =	sadd.s32 $0x3000, s4;
	s31 =	sadd.s32 s3, s26;
	[dreg:$0xf] =	wrdreg s25  }
0x18: {  	s7 =	sadd.s32 s5, s23;
	s11 =	sadd.s32 s5, s26;
	[dreg:$0x10] =	wrdreg s31  }
0x19: {  	s14 =	sadd.s32 s5, s9;
	[dreg:$0x11] =	wrdreg s7;
	s10 =	sadd.s32 s3, s9  }
0x1a: {  	s12 =	sadd.s32 $0x3600, s4;
	[dreg:$0x13] =	wrdreg s11;
	s15 =	sadd.s32 $0x3C00, s4  }
0x1b: {  	[dreg:$0x15] =	wrdreg s14;
	s18 =	sadd.s32 $0x4200, s4;
	s21 =	sadd.s32 $0x4800, s4  }
0x1c: {  	s24 =	sadd.s32 $0x4E00, s4;
	s9 =	sshrl.u32 s6, $0x1;
	s11 =	sadd.s32 $0x5A00, s4  }
0x1d: {  	s14 =	sadd.s32 $0x6C00, s4;
	[dreg:$0x12] =	wrdreg s10;
	s13 =	sadd.s32 s3, s12  }
0x1e: {  	s7 =	simm.s32 $0x3000;
	s16 =	sadd.s32 s3, s15;
	[dreg:$0x14] =	wrdreg s13  }
0x1f: {  	s17 =	sadd.s32 s5, s12;
	s19 =	sadd.s32 s3, s18;
	[dreg:$0x16] =	wrdreg s16  }
0x20: {  	s20 =	sadd.s32 s5, s15;
	s22 =	sadd.s32 s3, s21;
	[dreg:$0x17] =	wrdreg s17  }
0x21: {  	s23 =	sadd.s32 s5, s18;
	s25 =	sadd.s32 s3, s24;
	[dreg:$0x18] =	wrdreg s19  }
0x22: {  	s26 =	sadd.s32 s5, s21;
	s31 =	ssub.s32 s6, s9;
	[dreg:$0x19] =	wrdreg s20  }
0x23: {  	s10 =	sadd.s32 $0x5400, s4;
	s30 =	sadd.s32 s5, s24;
	[dreg:$0x1a] =	wrdreg s22  }
0x24: {  	s24 =	sadd.s32 s3, s11;
	s12 =	sadd.s32 $0x6000, s4;
	[dreg:$0x1b] =	wrdreg s23  }
0x25: {  	s15 =	sadd.s32 $0x7200, s4;
	s6 =	sadd.s32 $0xF4200, s3;
	[dreg:$0x1c] =	wrdreg s25  }
0x26: {  	[dreg:$0x1d] =	wrdreg s26;
	s26 =	sadd.s32 s3, s10;
	s25 =	sadd.s32 s5, s10  }
0x27: {  	s22 =	sadd.s32 s3, s12;
	s23 =	sadd.s32 s5, s11;
	s31 =	smax.u32 s31, $0x1  }
0x28: {  	s13 =	sadd.s32 $0x6600, s4;
	s21 =	sadd.s32 s5, s12;
	s1 =	sadd.s32 $0xFFFFFFFF, s31  }
0x29: {  	s17 =	sadd.s32 s3, s14;
	s12 =	sadd.s32 s3, s15;
	p2 =	sne.s32 s1, $0x0  }
.Ltmp0:
0x2a: {  	s16 =	sadd.s32 s5, s14;
	s20 =	sadd.s32 $0x7800, s4;
	(pc) =	sbr.rel @!p2 .LBB2_1-.Ltmp0, $4  }
0x2b: {  	s11 =	sadd.s32 s5, s15;
	s10 =	simm.s32 $0x7A1400;
	s14 =	simm.s32 $0xC000  }
0x2c: {  	s15 =	simm.s32 $0x4;
	s19 =	sadd.s32 s3, s13;
	s18 =	sadd.s32 s5, s13  }
0x2d: {  	s9 =	sadd.s32 s3, s20;
	s8 =	sadd.s32 s5, s20;
	s3 =	sadd.s32 $0xF4200, s5  }
0x2e: {  	s13 =	simm.s32 $0x1;
	s20 =	simm.s32 $0x2;
	s5 =	simm.s32 $0x3  }
0x2f: {  	[tilespmem:s2], [sflag:$0x1] =	stream.strided.gather [hbm4b:s0+s7], $0xC000, s10, s7, $0x38;
	[tilespmem:$0x19000] =	vst v63  }
0x30: {  	_ =	swait.ge [sflag:s13], $0xC000  }
0x31: {  	[sflag:s13] =	ssyncset.done $0x0  }
0x32: {  	s4 =	rddreg [dreg:$0x4];
	[sflag:s13] =	ssyncadd.s32 $0xFFFF4000  }
0x33: {  	[tilespmem:s14], [sflag:$0x2] =	stream.strided.gather [hbm4b:s4+s7], $0xC000, s10, s7, $0x38;
	[tilespmem:$0x19000] =	vst v63  }
0x34: {  	s28 =	rddreg [dreg:$0x5]  }
0x35: {  	[hbm4b:s28+s7] =	stream.strided.scatter [tilespmem:s2], [sflag:$0x3], $0xC000, s10, s7, $0x38;
	[tilespmem:$0x19000] =	vst v63  }
0x36: {  	_ =	swait.ge [sflag:s20], $0xC000  }
0x37: {  	[sflag:s20] =	ssyncset.done $0x0  }
0x38: {  	[sflag:s20] =	ssyncadd.s32 $0xFFFF4000  }
0x39: {  	_ =	swait.ge [sflag:s5], $0xC000  }
0x3a: {  	[sflag:s5] =	ssyncset.done $0x0  }
0x3b: {  	s4 =	rddreg [dreg:$0x6];
	[sflag:s5] =	ssyncadd.s32 $0xFFFF4000  }
0x3c: {  	[tilespmem:s2], [sflag:$0x1] =	stream.strided.gather [hbm4b:s4+s7], $0xC000, s10, s7, $0x38;
	[tilespmem:$0x19000] =	vst v63  }
0x3d: {  	s28 =	rddreg [dreg:$0x7]  }
0x3e: {  	[hbm4b:s28+s7] =	stream.strided.scatter [tilespmem:s14], [sflag:$0x4], $0xC000, s10, s7, $0x38;
	[tilespmem:$0x19000] =	vst v63  }
0x3f: {  	_ =	swait.ge [sflag:s13], $0xC000  }
0x40: {  	[sflag:s13] =	ssyncset.done $0x0  }
0x41: {  	[sflag:s13] =	ssyncadd.s32 $0xFFFF4000  }
0x42: {  	_ =	swait.ge [sflag:s15], $0xC000  }
0x43: {  	[sflag:s15] =	ssyncset.done $0x0  }
0x44: {  	s4 =	rddreg [dreg:$0x8];
	[sflag:s15] =	ssyncadd.s32 $0xFFFF4000  }
0x45: {  	[tilespmem:s14], [sflag:$0x2] =	stream.strided.gather [hbm4b:s4+s7], $0xC000, s10, s7, $0x38;
	[tilespmem:$0x19000] =	vst v63  }
0x46: {  	s28 =	rddreg [dreg:$0x9]  }
0x47: {  	[hbm4b:s28+s7] =	stream.strided.scatter [tilespmem:s2], [sflag:$0x3], $0xC000, s10, s7, $0x38;
	[tilespmem:$0x19000] =	vst v63  }
0x48: {  	_ =	swait.ge [sflag:s20], $0xC000  }
0x49: {  	[sflag:s20] =	ssyncset.done $0x0  }
0x4a: {  	[sflag:s20] =	ssyncadd.s32 $0xFFFF4000  }
0x4b: {  	_ =	swait.ge [sflag:s5], $0xC000  }
0x4c: {  	[sflag:s5] =	ssyncset.done $0x0  }
0x4d: {  	s4 =	rddreg [dreg:$0xa];
	[sflag:s5] =	ssyncadd.s32 $0xFFFF4000  }
0x4e: {  	[tilespmem:s2], [sflag:$0x1] =	stream.strided.gather [hbm4b:s4+s7], $0xC000, s10, s7, $0x38;
	[tilespmem:$0x19000] =	vst v63  }
0x4f: {  	s28 =	rddreg [dreg:$0xb]  }
0x50: {  	[hbm4b:s28+s7] =	stream.strided.scatter [tilespmem:s14], [sflag:$0x4], $0xC000, s10, s7, $0x38;
	[tilespmem:$0x19000] =	vst v63  }
0x51: {  	_ =	swait.ge [sflag:s13], $0xC000  }
0x52: {  	[sflag:s13] =	ssyncset.done $0x0  }
0x53: {  	[sflag:s13] =	ssyncadd.s32 $0xFFFF4000  }
0x54: {  	_ =	swait.ge [sflag:s15], $0xC000  }
0x55: {  	[sflag:s15] =	ssyncset.done $0x0  }
0x56: {  	s4 =	rddreg [dreg:$0xc];
	[sflag:s15] =	ssyncadd.s32 $0xFFFF4000  }
0x57: {  	[tilespmem:s14], [sflag:$0x2] =	stream.strided.gather [hbm4b:s4+s7], $0xC000, s10, s7, $0x38;
	[tilespmem:$0x19000] =	vst v63  }
0x58: {  	s28 =	rddreg [dreg:$0xd]  }
0x59: {  	[hbm4b:s28+s7] =	stream.strided.scatter [tilespmem:s2], [sflag:$0x3], $0xC000, s10, s7, $0x38;
	[tilespmem:$0x19000] =	vst v63  }
0x5a: {  	_ =	swait.ge [sflag:s20], $0xC000  }
0x5b: {  	[sflag:s20] =	ssyncset.done $0x0  }
0x5c: {  	[sflag:s20] =	ssyncadd.s32 $0xFFFF4000  }
0x5d: {  	_ =	swait.ge [sflag:s5], $0xC000  }
0x5e: {  	[sflag:s5] =	ssyncset.done $0x0  }
0x5f: {  	s4 =	rddreg [dreg:$0xe];
	[sflag:s5] =	ssyncadd.s32 $0xFFFF4000  }
0x60: {  	[tilespmem:s2], [sflag:$0x1] =	stream.strided.gather [hbm4b:s4+s7], $0xC000, s10, s7, $0x38;
	[tilespmem:$0x19000] =	vst v63  }
0x61: {  	s28 =	rddreg [dreg:$0xf]  }
0x62: {  	[hbm4b:s28+s7] =	stream.strided.scatter [tilespmem:s14], [sflag:$0x4], $0xC000, s10, s7, $0x38;
	[tilespmem:$0x19000] =	vst v63  }
0x63: {  	_ =	swait.ge [sflag:s13], $0xC000  }
0x64: {  	[sflag:s13] =	ssyncset.done $0x0  }
0x65: {  	[sflag:s13] =	ssyncadd.s32 $0xFFFF4000  }
0x66: {  	_ =	swait.ge [sflag:s15], $0xC000  }
0x67: {  	[sflag:s15] =	ssyncset.done $0x0  }
0x68: {  	s4 =	rddreg [dreg:$0x10];
	[sflag:s15] =	ssyncadd.s32 $0xFFFF4000  }
0x69: {  	[tilespmem:s14], [sflag:$0x2] =	stream.strided.gather [hbm4b:s4+s7], $0xC000, s10, s7, $0x38;
	[tilespmem:$0x19000] =	vst v63  }
0x6a: {  	s28 =	rddreg [dreg:$0x11]  }
0x6b: {  	[hbm4b:s28+s7] =	stream.strided.scatter [tilespmem:s2], [sflag:$0x3], $0xC000, s10, s7, $0x38;
	[tilespmem:$0x19000] =	vst v63  }
0x6c: {  	_ =	swait.ge [sflag:s20], $0xC000  }
0x6d: {  	[sflag:s20] =	ssyncset.done $0x0  }
0x6e: {  	[sflag:s20] =	ssyncadd.s32 $0xFFFF4000  }
0x6f: {  	_ =	swait.ge [sflag:s5], $0xC000  }
0x70: {  	[sflag:s5] =	ssyncset.done $0x0  }
0x71: {  	s4 =	rddreg [dreg:$0x12];
	[sflag:s5] =	ssyncadd.s32 $0xFFFF4000  }
0x72: {  	[tilespmem:s2], [sflag:$0x1] =	stream.strided.gather [hbm4b:s4+s7], $0xC000, s10, s7, $0x38;
	[tilespmem:$0x19000] =	vst v63  }
0x73: {  	s28 =	rddreg [dreg:$0x13]  }
0x74: {  	[hbm4b:s28+s7] =	stream.strided.scatter [tilespmem:s14], [sflag:$0x4], $0xC000, s10, s7, $0x38;
	[tilespmem:$0x19000] =	vst v63  }
0x75: {  	_ =	swait.ge [sflag:s13], $0xC000  }
0x76: {  	[sflag:s13] =	ssyncset.done $0x0  }
0x77: {  	[sflag:s13] =	ssyncadd.s32 $0xFFFF4000  }
0x78: {  	_ =	swait.ge [sflag:s15], $0xC000  }
0x79: {  	[sflag:s15] =	ssyncset.done $0x0  }
0x7a: {  	s4 =	rddreg [dreg:$0x14];
	[sflag:s15] =	ssyncadd.s32 $0xFFFF4000  }
0x7b: {  	[tilespmem:s14], [sflag:$0x2] =	stream.strided.gather [hbm4b:s4+s7], $0xC000, s10, s7, $0x38;
	[tilespmem:$0x19000] =	vst v63  }
0x7c: {  	s28 =	rddreg [dreg:$0x15]  }
0x7d: {  	[hbm4b:s28+s7] =	stream.strided.scatter [tilespmem:s2], [sflag:$0x3], $0xC000, s10, s7, $0x38;
	[tilespmem:$0x19000] =	vst v63  }
0x7e: {  	_ =	swait.ge [sflag:s20], $0xC000  }
0x7f: {  	[sflag:s20] =	ssyncset.done $0x0  }
0x80: {  	[sflag:s20] =	ssyncadd.s32 $0xFFFF4000  }
0x81: {  	_ =	swait.ge [sflag:s5], $0xC000  }
0x82: {  	[sflag:s5] =	ssyncset.done $0x0  }
0x83: {  	s4 =	rddreg [dreg:$0x16];
	[sflag:s5] =	ssyncadd.s32 $0xFFFF4000  }
0x84: {  	[tilespmem:s2], [sflag:$0x1] =	stream.strided.gather [hbm4b:s4+s7], $0xC000, s10, s7, $0x38;
	[tilespmem:$0x19000] =	vst v63  }
0x85: {  	s28 =	rddreg [dreg:$0x17]  }
0x86: {  	[hbm4b:s28+s7] =	stream.strided.scatter [tilespmem:s14], [sflag:$0x4], $0xC000, s10, s7, $0x38;
	[tilespmem:$0x19000] =	vst v63  }
0x87: {  	_ =	swait.ge [sflag:s13], $0xC000  }
0x88: {  	[sflag:s13] =	ssyncset.done $0x0  }
0x89: {  	[sflag:s13] =	ssyncadd.s32 $0xFFFF4000  }
0x8a: {  	_ =	swait.ge [sflag:s15], $0xC000  }
0x8b: {  	[sflag:s15] =	ssyncset.done $0x0  }
0x8c: {  	s4 =	rddreg [dreg:$0x18];
	[sflag:s15] =	ssyncadd.s32 $0xFFFF4000  }
0x8d: {  	[tilespmem:s14], [sflag:$0x2] =	stream.strided.gather [hbm4b:s4+s7], $0xC000, s10, s7, $0x38;
	[tilespmem:$0x19000] =	vst v63  }
0x8e: {  	s28 =	rddreg [dreg:$0x19]  }
0x8f: {  	[hbm4b:s28+s7] =	stream.strided.scatter [tilespmem:s2], [sflag:$0x3], $0xC000, s10, s7, $0x38;
	[tilespmem:$0x19000] =	vst v63  }
0x90: {  	_ =	swait.ge [sflag:s20], $0xC000  }
0x91: {  	[sflag:s20] =	ssyncset.done $0x0  }
0x92: {  	[sflag:s20] =	ssyncadd.s32 $0xFFFF4000  }
0x93: {  	_ =	swait.ge [sflag:s5], $0xC000  }
0x94: {  	[sflag:s5] =	ssyncset.done $0x0  }
0x95: {  	s4 =	rddreg [dreg:$0x1a];
	[sflag:s5] =	ssyncadd.s32 $0xFFFF4000  }
0x96: {  	[tilespmem:s2], [sflag:$0x1] =	stream.strided.gather [hbm4b:s4+s7], $0xC000, s10, s7, $0x38;
	[tilespmem:$0x19000] =	vst v63  }
0x97: {  	s28 =	rddreg [dreg:$0x1b]  }
0x98: {  	[hbm4b:s28+s7] =	stream.strided.scatter [tilespmem:s14], [sflag:$0x4], $0xC000, s10, s7, $0x38;
	[tilespmem:$0x19000] =	vst v63  }
0x99: {  	_ =	swait.ge [sflag:s13], $0xC000  }
0x9a: {  	[sflag:s13] =	ssyncset.done $0x0  }
0x9b: {  	[sflag:s13] =	ssyncadd.s32 $0xFFFF4000  }
0x9c: {  	_ =	swait.ge [sflag:s15], $0xC000  }
0x9d: {  	[sflag:s15] =	ssyncset.done $0x0  }
0x9e: {  	s4 =	rddreg [dreg:$0x1c];
	[sflag:s15] =	ssyncadd.s32 $0xFFFF4000  }
0x9f: {  	[tilespmem:s14], [sflag:$0x2] =	stream.strided.gather [hbm4b:s4+s7], $0xC000, s10, s7, $0x38;
	[tilespmem:$0x19000] =	vst v63  }
0xa0: {  	s28 =	rddreg [dreg:$0x1d]  }
0xa1: {  	[hbm4b:s28+s7] =	stream.strided.scatter [tilespmem:s2], [sflag:$0x3], $0xC000, s10, s7, $0x38;
	[tilespmem:$0x19000] =	vst v63  }
0xa2: {  	_ =	swait.ge [sflag:s20], $0xC000  }
0xa3: {  	[sflag:s20] =	ssyncset.done $0x0  }
0xa4: {  	[sflag:s20] =	ssyncadd.s32 $0xFFFF4000  }
0xa5: {  	_ =	swait.ge [sflag:s5], $0xC000  }
0xa6: {  	[sflag:s5] =	ssyncset.done $0x0  }
0xa7: {  	[sflag:s5] =	ssyncadd.s32 $0xFFFF4000  }
0xa8: {  	[tilespmem:s2], [sflag:$0x1] =	stream.strided.gather [hbm4b:s26+s7], $0xC000, s10, s7, $0x38;
	[tilespmem:$0x19000] =	vst v63  }
0xa9: {  	_ = 	snop  }
0xaa: {  	[hbm4b:s30+s7] =	stream.strided.scatter [tilespmem:s14], [sflag:$0x4], $0xC000, s10, s7, $0x38;
	[tilespmem:$0x19000] =	vst v63  }
0xab: {  	_ =	swait.ge [sflag:s13], $0xC000  }
0xac: {  	[sflag:s13] =	ssyncset.done $0x0  }
0xad: {  	[sflag:s13] =	ssyncadd.s32 $0xFFFF4000  }
0xae: {  	_ =	swait.ge [sflag:s15], $0xC000  }
0xaf: {  	[sflag:s15] =	ssyncset.done $0x0  }
0xb0: {  	[sflag:s15] =	ssyncadd.s32 $0xFFFF4000  }
0xb1: {  	[tilespmem:s14], [sflag:$0x2] =	stream.strided.gather [hbm4b:s24+s7], $0xC000, s10, s7, $0x38;
	[tilespmem:$0x19000] =	vst v63  }
0xb2: {  	_ = 	snop  }
0xb3: {  	[hbm4b:s25+s7] =	stream.strided.scatter [tilespmem:s2], [sflag:$0x3], $0xC000, s10, s7, $0x38;
	[tilespmem:$0x19000] =	vst v63  }
0xb4: {  	_ =	swait.ge [sflag:s20], $0xC000  }
0xb5: {  	[sflag:s20] =	ssyncset.done $0x0  }
0xb6: {  	[sflag:s20] =	ssyncadd.s32 $0xFFFF4000  }
0xb7: {  	_ =	swait.ge [sflag:s5], $0xC000  }
0xb8: {  	[sflag:s5] =	ssyncset.done $0x0  }
0xb9: {  	[sflag:s5] =	ssyncadd.s32 $0xFFFF4000  }
0xba: {  	[tilespmem:s2], [sflag:$0x1] =	stream.strided.gather [hbm4b:s22+s7], $0xC000, s10, s7, $0x38;
	[tilespmem:$0x19000] =	vst v63  }
0xbb: {  	_ = 	snop  }
0xbc: {  	[hbm4b:s23+s7] =	stream.strided.scatter [tilespmem:s14], [sflag:$0x4], $0xC000, s10, s7, $0x38;
	[tilespmem:$0x19000] =	vst v63  }
0xbd: {  	_ =	swait.ge [sflag:s13], $0xC000  }
0xbe: {  	[sflag:s13] =	ssyncset.done $0x0  }
0xbf: {  	[sflag:s13] =	ssyncadd.s32 $0xFFFF4000  }
0xc0: {  	_ =	swait.ge [sflag:s15], $0xC000  }
0xc1: {  	[sflag:s15] =	ssyncset.done $0x0  }
0xc2: {  	[sflag:s15] =	ssyncadd.s32 $0xFFFF4000  }
0xc3: {  	[tilespmem:s14], [sflag:$0x2] =	stream.strided.gather [hbm4b:s19+s7], $0xC000, s10, s7, $0x38;
	[tilespmem:$0x19000] =	vst v63  }
0xc4: {  	_ = 	snop  }
0xc5: {  	[hbm4b:s21+s7] =	stream.strided.scatter [tilespmem:s2], [sflag:$0x3], $0xC000, s10, s7, $0x38;
	[tilespmem:$0x19000] =	vst v63  }
0xc6: {  	_ =	swait.ge [sflag:s20], $0xC000  }
0xc7: {  	[sflag:s20] =	ssyncset.done $0x0  }
0xc8: {  	[sflag:s20] =	ssyncadd.s32 $0xFFFF4000  }
0xc9: {  	_ =	swait.ge [sflag:s5], $0xC000  }
0xca: {  	[sflag:s5] =	ssyncset.done $0x0  }
0xcb: {  	[sflag:s5] =	ssyncadd.s32 $0xFFFF4000  }
0xcc: {  	[tilespmem:s2], [sflag:$0x1] =	stream.strided.gather [hbm4b:s17+s7], $0xC000, s10, s7, $0x38;
	[tilespmem:$0x19000] =	vst v63  }
0xcd: {  	_ = 	snop  }
0xce: {  	[hbm4b:s18+s7] =	stream.strided.scatter [tilespmem:s14], [sflag:$0x4], $0xC000, s10, s7, $0x38;
	[tilespmem:$0x19000] =	vst v63  }
0xcf: {  	_ =	swait.ge [sflag:s13], $0xC000  }
0xd0: {  	[sflag:s13] =	ssyncset.done $0x0  }
0xd1: {  	[sflag:s13] =	ssyncadd.s32 $0xFFFF4000  }
0xd2: {  	_ =	swait.ge [sflag:s15], $0xC000  }
0xd3: {  	[sflag:s15] =	ssyncset.done $0x0  }
0xd4: {  	[sflag:s15] =	ssyncadd.s32 $0xFFFF4000  }
0xd5: {  	[tilespmem:s14], [sflag:$0x2] =	stream.strided.gather [hbm4b:s12+s7], $0xC000, s10, s7, $0x38;
	[tilespmem:$0x19000] =	vst v63  }
0xd6: {  	_ = 	snop  }
0xd7: {  	[hbm4b:s16+s7] =	stream.strided.scatter [tilespmem:s2], [sflag:$0x3], $0xC000, s10, s7, $0x38;
	[tilespmem:$0x19000] =	vst v63  }
0xd8: {  	_ =	swait.ge [sflag:s20], $0xC000  }
0xd9: {  	[sflag:s20] =	ssyncset.done $0x0  }
0xda: {  	[sflag:s20] =	ssyncadd.s32 $0xFFFF4000  }
0xdb: {  	_ =	swait.ge [sflag:s5], $0xC000  }
0xdc: {  	[sflag:s5] =	ssyncset.done $0x0  }
0xdd: {  	[sflag:s5] =	ssyncadd.s32 $0xFFFF4000  }
0xde: {  	[tilespmem:s2], [sflag:$0x1] =	stream.strided.gather [hbm4b:s9+s7], $0xC000, s10, s7, $0x38;
	[tilespmem:$0x19000] =	vst v63  }
0xdf: {  	_ = 	snop  }
0xe0: {  	[hbm4b:s11+s7] =	stream.strided.scatter [tilespmem:s14], [sflag:$0x4], $0xC000, s10, s7, $0x38;
	[tilespmem:$0x19000] =	vst v63  }
0xe1: {  	_ =	swait.ge [sflag:s13], $0xC000  }
0xe2: {  	[sflag:s13] =	ssyncset.done $0x0  }
0xe3: {  	[sflag:s13] =	ssyncadd.s32 $0xFFFF4000  }
0xe4: {  	_ =	swait.ge [sflag:s15], $0xC000  }
0xe5: {  	[sflag:s15] =	ssyncset.done $0x0  }
0xe6: {  	s0 =	simm.s32 @!p0 $0x400;
	[sflag:s15] =	ssyncadd.s32 $0xFFFF4000  }
0xe7: {  	[hbm4b:s8+s7] =	stream.strided.scatter [tilespmem:s2], [sflag:$0x3], $0xC000, s10, s7, $0x38;
	[tilespmem:$0x19000] =	vst v63  }
0xe8: {  	s29 =	simm.s32 @!p0 $0x7A1400;
	s31 =	simm.s32 @!p0 $0x18000;
	s28 =	simm.s32 @!p0 $0x5  }
0xe9: {  	[tilespmem:s31], [sflag:$0x5] =	stream.strided.gather @!p0 [hbm4b:s6+s0], $0x1000, s29, s0, $0x38;
	[tilespmem:$0x19000] =	vst v63  }
0xea: {  	_ =	swait.ge @!p0 [sflag:s28], $0x1000  }
0xeb: {  	s1 =	sadd.s32 $0xFFFFFFFF, s1;
	[sflag:s28] =	ssyncset.done @!p0 $0x0  }
0xec: {  	p2 =	sne.s32 s1, $0x0;
	[sflag:s28] =	ssyncadd.s32 @!p0 $0xFFFFF000  }
0xed: {  	[hbm4b:s3+s0] =	stream.strided.scatter @!p0 [tilespmem:s31], [sflag:$0x5], $0x1000, s29, s0, $0x38;
	[tilespmem:$0x19000] =	vst v63  }
.Ltmp1:
0xee: {  	_ =	swait.ge @!p0 [sflag:s28], $0x1000;
	(pc) =	sbr.rel @!p2 .LBB2_3-.Ltmp1, $4  }
0xef: {  	[sflag:s28] =	ssyncset.done @!p0 $0x0  }
0xf0: {  	[sflag:s28] =	ssyncadd.s32 @!p0 $0xFFFFF000  }
0xf1: {  	_ =	swait.ge [sflag:s5], $0xC000  }
0xf2: {  	p1 =	por $0x1, $0x1;
	s0 =	rddreg [dreg:$0x3];
	[sflag:s5] =	ssyncset.done $0x0  }
.LBB2_4:
0xf3: {  	[sflag:s5] =	ssyncadd.s32 $0xFFFF4000  }
0xf4: {  	[tilespmem:s2], [sflag:$0x1] =	stream.strided.gather [hbm4b:s0+s7], $0xC000, s10, s7, $0x38;
	[tilespmem:$0x19000] =	vst v63  }
0xf5: {  	_ =	swait.ge [sflag:s13], $0xC000  }
0xf6: {  	[sflag:s13] =	ssyncset.done $0x0  }
0xf7: {  	s0 =	rddreg [dreg:$0x4];
	[sflag:s13] =	ssyncadd.s32 $0xFFFF4000  }
0xf8: {  	[tilespmem:s14], [sflag:$0x2] =	stream.strided.gather [hbm4b:s0+s7], $0xC000, s10, s7, $0x38;
	[tilespmem:$0x19000] =	vst v63  }
0xf9: {  	s4 =	smov.u32 s3;
	s3 =	rddreg [dreg:$0x5]  }
0xfa: {  	[hbm4b:s3+s7] =	stream.strided.scatter [tilespmem:s2], [sflag:$0x3], $0xC000, s10, s7, $0x38;
	[tilespmem:$0x19000] =	vst v63  }
0xfb: {  	_ =	swait.ge [sflag:s20], $0xC000  }
0xfc: {  	[sflag:s20] =	ssyncset.done $0x0  }
0xfd: {  	[sflag:s20] =	ssyncadd.s32 $0xFFFF4000  }
0xfe: {  	_ =	swait.ge [sflag:s5], $0xC000  }
0xff: {  	[sflag:s5] =	ssyncset.done $0x0  }
0x100: {  	s0 =	rddreg [dreg:$0x6];
	[sflag:s5] =	ssyncadd.s32 $0xFFFF4000  }
0x101: {  	[tilespmem:s2], [sflag:$0x1] =	stream.strided.gather [hbm4b:s0+s7], $0xC000, s10, s7, $0x38;
	[tilespmem:$0x19000] =	vst v63  }
0x102: {  	s3 =	rddreg [dreg:$0x7]  }
0x103: {  	[hbm4b:s3+s7] =	stream.strided.scatter [tilespmem:s14], [sflag:$0x4], $0xC000, s10, s7, $0x38;
	[tilespmem:$0x19000] =	vst v63  }
0x104: {  	_ =	swait.ge [sflag:s13], $0xC000  }
0x105: {  	[sflag:s13] =	ssyncset.done $0x0  }
0x106: {  	[sflag:s13] =	ssyncadd.s32 $0xFFFF4000  }
0x107: {  	_ =	swait.ge [sflag:s15], $0xC000  }
0x108: {  	[sflag:s15] =	ssyncset.done $0x0  }
0x109: {  	s0 =	rddreg [dreg:$0x8];
	[sflag:s15] =	ssyncadd.s32 $0xFFFF4000  }
0x10a: {  	[tilespmem:s14], [sflag:$0x2] =	stream.strided.gather [hbm4b:s0+s7], $0xC000, s10, s7, $0x38;
	[tilespmem:$0x19000] =	vst v63  }
0x10b: {  	s3 =	rddreg [dreg:$0x9]  }
0x10c: {  	[hbm4b:s3+s7] =	stream.strided.scatter [tilespmem:s2], [sflag:$0x3], $0xC000, s10, s7, $0x38;
	[tilespmem:$0x19000] =	vst v63  }
0x10d: {  	_ =	swait.ge [sflag:s20], $0xC000  }
0x10e: {  	[sflag:s20] =	ssyncset.done $0x0  }
0x10f: {  	[sflag:s20] =	ssyncadd.s32 $0xFFFF4000  }
0x110: {  	_ =	swait.ge [sflag:s5], $0xC000  }
0x111: {  	[sflag:s5] =	ssyncset.done $0x0  }
0x112: {  	s0 =	rddreg [dreg:$0xa];
	[sflag:s5] =	ssyncadd.s32 $0xFFFF4000  }
0x113: {  	[tilespmem:s2], [sflag:$0x1] =	stream.strided.gather [hbm4b:s0+s7], $0xC000, s10, s7, $0x38;
	[tilespmem:$0x19000] =	vst v63  }
0x114: {  	s3 =	rddreg [dreg:$0xb]  }
0x115: {  	[hbm4b:s3+s7] =	stream.strided.scatter [tilespmem:s14], [sflag:$0x4], $0xC000, s10, s7, $0x38;
	[tilespmem:$0x19000] =	vst v63  }
0x116: {  	_ =	swait.ge [sflag:s13], $0xC000  }
0x117: {  	[sflag:s13] =	ssyncset.done $0x0  }
0x118: {  	[sflag:s13] =	ssyncadd.s32 $0xFFFF4000  }
0x119: {  	_ =	swait.ge [sflag:s15], $0xC000  }
0x11a: {  	[sflag:s15] =	ssyncset.done $0x0  }
0x11b: {  	s0 =	rddreg [dreg:$0xc];
	[sflag:s15] =	ssyncadd.s32 $0xFFFF4000  }
0x11c: {  	[tilespmem:s14], [sflag:$0x2] =	stream.strided.gather [hbm4b:s0+s7], $0xC000, s10, s7, $0x38;
	[tilespmem:$0x19000] =	vst v63  }
0x11d: {  	s3 =	rddreg [dreg:$0xd]  }
0x11e: {  	[hbm4b:s3+s7] =	stream.strided.scatter [tilespmem:s2], [sflag:$0x3], $0xC000, s10, s7, $0x38;
	[tilespmem:$0x19000] =	vst v63  }
0x11f: {  	_ =	swait.ge [sflag:s20], $0xC000  }
0x120: {  	[sflag:s20] =	ssyncset.done $0x0  }
0x121: {  	[sflag:s20] =	ssyncadd.s32 $0xFFFF4000  }
0x122: {  	_ =	swait.ge [sflag:s5], $0xC000  }
0x123: {  	[sflag:s5] =	ssyncset.done $0x0  }
0x124: {  	s0 =	rddreg [dreg:$0xe];
	[sflag:s5] =	ssyncadd.s32 $0xFFFF4000  }
0x125: {  	[tilespmem:s2], [sflag:$0x1] =	stream.strided.gather [hbm4b:s0+s7], $0xC000, s10, s7, $0x38;
	[tilespmem:$0x19000] =	vst v63  }
0x126: {  	s3 =	rddreg [dreg:$0xf]  }
0x127: {  	[hbm4b:s3+s7] =	stream.strided.scatter [tilespmem:s14], [sflag:$0x4], $0xC000, s10, s7, $0x38;
	[tilespmem:$0x19000] =	vst v63  }
0x128: {  	_ =	swait.ge [sflag:s13], $0xC000  }
0x129: {  	[sflag:s13] =	ssyncset.done $0x0  }
0x12a: {  	[sflag:s13] =	ssyncadd.s32 $0xFFFF4000  }
0x12b: {  	_ =	swait.ge [sflag:s15], $0xC000  }
0x12c: {  	[sflag:s15] =	ssyncset.done $0x0  }
0x12d: {  	s0 =	rddreg [dreg:$0x10];
	[sflag:s15] =	ssyncadd.s32 $0xFFFF4000  }
0x12e: {  	[tilespmem:s14], [sflag:$0x2] =	stream.strided.gather [hbm4b:s0+s7], $0xC000, s10, s7, $0x38;
	[tilespmem:$0x19000] =	vst v63  }
0x12f: {  	s3 =	rddreg [dreg:$0x11]  }
0x130: {  	[hbm4b:s3+s7] =	stream.strided.scatter [tilespmem:s2], [sflag:$0x3], $0xC000, s10, s7, $0x38;
	[tilespmem:$0x19000] =	vst v63  }
0x131: {  	_ =	swait.ge [sflag:s20], $0xC000  }
0x132: {  	[sflag:s20] =	ssyncset.done $0x0  }
0x133: {  	[sflag:s20] =	ssyncadd.s32 $0xFFFF4000  }
0x134: {  	_ =	swait.ge [sflag:s5], $0xC000  }
0x135: {  	[sflag:s5] =	ssyncset.done $0x0  }
0x136: {  	s0 =	rddreg [dreg:$0x12];
	[sflag:s5] =	ssyncadd.s32 $0xFFFF4000  }
0x137: {  	[tilespmem:s2], [sflag:$0x1] =	stream.strided.gather [hbm4b:s0+s7], $0xC000, s10, s7, $0x38;
	[tilespmem:$0x19000] =	vst v63  }
0x138: {  	s3 =	rddreg [dreg:$0x13]  }
0x139: {  	[hbm4b:s3+s7] =	stream.strided.scatter [tilespmem:s14], [sflag:$0x4], $0xC000, s10, s7, $0x38;
	[tilespmem:$0x19000] =	vst v63  }
0x13a: {  	_ =	swait.ge [sflag:s13], $0xC000  }
0x13b: {  	[sflag:s13] =	ssyncset.done $0x0  }
0x13c: {  	[sflag:s13] =	ssyncadd.s32 $0xFFFF4000  }
0x13d: {  	_ =	swait.ge [sflag:s15], $0xC000  }
0x13e: {  	[sflag:s15] =	ssyncset.done $0x0  }
0x13f: {  	s0 =	rddreg [dreg:$0x14];
	[sflag:s15] =	ssyncadd.s32 $0xFFFF4000  }
0x140: {  	[tilespmem:s14], [sflag:$0x2] =	stream.strided.gather [hbm4b:s0+s7], $0xC000, s10, s7, $0x38;
	[tilespmem:$0x19000] =	vst v63  }
0x141: {  	s3 =	rddreg [dreg:$0x15]  }
0x142: {  	[hbm4b:s3+s7] =	stream.strided.scatter [tilespmem:s2], [sflag:$0x3], $0xC000, s10, s7, $0x38;
	[tilespmem:$0x19000] =	vst v63  }
0x143: {  	_ =	swait.ge [sflag:s20], $0xC000  }
0x144: {  	[sflag:s20] =	ssyncset.done $0x0  }
0x145: {  	[sflag:s20] =	ssyncadd.s32 $0xFFFF4000  }
0x146: {  	_ =	swait.ge [sflag:s5], $0xC000  }
0x147: {  	[sflag:s5] =	ssyncset.done $0x0  }
0x148: {  	s0 =	rddreg [dreg:$0x16];
	[sflag:s5] =	ssyncadd.s32 $0xFFFF4000  }
0x149: {  	[tilespmem:s2], [sflag:$0x1] =	stream.strided.gather [hbm4b:s0+s7], $0xC000, s10, s7, $0x38;
	[tilespmem:$0x19000] =	vst v63  }
0x14a: {  	s3 =	rddreg [dreg:$0x17]  }
0x14b: {  	[hbm4b:s3+s7] =	stream.strided.scatter [tilespmem:s14], [sflag:$0x4], $0xC000, s10, s7, $0x38;
	[tilespmem:$0x19000] =	vst v63  }
0x14c: {  	_ =	swait.ge [sflag:s13], $0xC000  }
0x14d: {  	[sflag:s13] =	ssyncset.done $0x0  }
0x14e: {  	[sflag:s13] =	ssyncadd.s32 $0xFFFF4000  }
0x14f: {  	_ =	swait.ge [sflag:s15], $0xC000  }
0x150: {  	[sflag:s15] =	ssyncset.done $0x0  }
0x151: {  	s0 =	rddreg [dreg:$0x18];
	[sflag:s15] =	ssyncadd.s32 $0xFFFF4000  }
0x152: {  	[tilespmem:s14], [sflag:$0x2] =	stream.strided.gather [hbm4b:s0+s7], $0xC000, s10, s7, $0x38;
	[tilespmem:$0x19000] =	vst v63  }
0x153: {  	s3 =	rddreg [dreg:$0x19]  }
0x154: {  	[hbm4b:s3+s7] =	stream.strided.scatter [tilespmem:s2], [sflag:$0x3], $0xC000, s10, s7, $0x38;
	[tilespmem:$0x19000] =	vst v63  }
0x155: {  	_ =	swait.ge [sflag:s20], $0xC000  }
0x156: {  	[sflag:s20] =	ssyncset.done $0x0  }
0x157: {  	[sflag:s20] =	ssyncadd.s32 $0xFFFF4000  }
0x158: {  	_ =	swait.ge [sflag:s5], $0xC000  }
0x159: {  	[sflag:s5] =	ssyncset.done $0x0  }
0x15a: {  	s0 =	rddreg [dreg:$0x1a];
	[sflag:s5] =	ssyncadd.s32 $0xFFFF4000  }
0x15b: {  	[tilespmem:s2], [sflag:$0x1] =	stream.strided.gather [hbm4b:s0+s7], $0xC000, s10, s7, $0x38;
	[tilespmem:$0x19000] =	vst v63  }
0x15c: {  	s3 =	rddreg [dreg:$0x1b]  }
0x15d: {  	[hbm4b:s3+s7] =	stream.strided.scatter [tilespmem:s14], [sflag:$0x4], $0xC000, s10, s7, $0x38;
	[tilespmem:$0x19000] =	vst v63  }
0x15e: {  	_ =	swait.ge [sflag:s13], $0xC000  }
0x15f: {  	[sflag:s13] =	ssyncset.done $0x0  }
0x160: {  	[sflag:s13] =	ssyncadd.s32 $0xFFFF4000  }
0x161: {  	_ =	swait.ge [sflag:s15], $0xC000  }
0x162: {  	[sflag:s15] =	ssyncset.done $0x0  }
0x163: {  	s0 =	rddreg [dreg:$0x1c];
	[sflag:s15] =	ssyncadd.s32 $0xFFFF4000  }
0x164: {  	[tilespmem:s14], [sflag:$0x2] =	stream.strided.gather [hbm4b:s0+s7], $0xC000, s10, s7, $0x38;
	[tilespmem:$0x19000] =	vst v63  }
0x165: {  	s3 =	rddreg [dreg:$0x1d]  }
0x166: {  	[hbm4b:s3+s7] =	stream.strided.scatter [tilespmem:s2], [sflag:$0x3], $0xC000, s10, s7, $0x38;
	[tilespmem:$0x19000] =	vst v63  }
0x167: {  	_ =	swait.ge [sflag:s20], $0xC000  }
0x168: {  	[sflag:s20] =	ssyncset.done $0x0  }
0x169: {  	[sflag:s20] =	ssyncadd.s32 $0xFFFF4000  }
0x16a: {  	_ =	swait.ge [sflag:s5], $0xC000  }
0x16b: {  	[sflag:s5] =	ssyncset.done $0x0  }
0x16c: {  	[sflag:s5] =	ssyncadd.s32 $0xFFFF4000  }
0x16d: {  	[tilespmem:s2], [sflag:$0x1] =	stream.strided.gather [hbm4b:s26+s7], $0xC000, s10, s7, $0x38;
	[tilespmem:$0x19000] =	vst v63  }
0x16e: {  	_ = 	snop  }
0x16f: {  	[hbm4b:s30+s7] =	stream.strided.scatter [tilespmem:s14], [sflag:$0x4], $0xC000, s10, s7, $0x38;
	[tilespmem:$0x19000] =	vst v63  }
0x170: {  	_ =	swait.ge [sflag:s13], $0xC000  }
0x171: {  	[sflag:s13] =	ssyncset.done $0x0  }
0x172: {  	[sflag:s13] =	ssyncadd.s32 $0xFFFF4000  }
0x173: {  	_ =	swait.ge [sflag:s15], $0xC000  }
0x174: {  	[sflag:s15] =	ssyncset.done $0x0  }
0x175: {  	[sflag:s15] =	ssyncadd.s32 $0xFFFF4000  }
0x176: {  	[tilespmem:s14], [sflag:$0x2] =	stream.strided.gather [hbm4b:s24+s7], $0xC000, s10, s7, $0x38;
	[tilespmem:$0x19000] =	vst v63  }
0x177: {  	_ = 	snop  }
0x178: {  	[hbm4b:s25+s7] =	stream.strided.scatter [tilespmem:s2], [sflag:$0x3], $0xC000, s10, s7, $0x38;
	[tilespmem:$0x19000] =	vst v63  }
0x179: {  	_ =	swait.ge [sflag:s20], $0xC000  }
0x17a: {  	[sflag:s20] =	ssyncset.done $0x0  }
0x17b: {  	[sflag:s20] =	ssyncadd.s32 $0xFFFF4000  }
0x17c: {  	_ =	swait.ge [sflag:s5], $0xC000  }
0x17d: {  	[sflag:s5] =	ssyncset.done $0x0  }
0x17e: {  	[sflag:s5] =	ssyncadd.s32 $0xFFFF4000  }
0x17f: {  	[tilespmem:s2], [sflag:$0x1] =	stream.strided.gather [hbm4b:s22+s7], $0xC000, s10, s7, $0x38;
	[tilespmem:$0x19000] =	vst v63  }
0x180: {  	_ = 	snop  }
0x181: {  	[hbm4b:s23+s7] =	stream.strided.scatter [tilespmem:s14], [sflag:$0x4], $0xC000, s10, s7, $0x38;
	[tilespmem:$0x19000] =	vst v63  }
0x182: {  	_ =	swait.ge [sflag:s13], $0xC000  }
0x183: {  	[sflag:s13] =	ssyncset.done $0x0  }
0x184: {  	[sflag:s13] =	ssyncadd.s32 $0xFFFF4000  }
0x185: {  	_ =	swait.ge [sflag:s15], $0xC000  }
0x186: {  	[sflag:s15] =	ssyncset.done $0x0  }
0x187: {  	[sflag:s15] =	ssyncadd.s32 $0xFFFF4000  }
0x188: {  	[tilespmem:s14], [sflag:$0x2] =	stream.strided.gather [hbm4b:s19+s7], $0xC000, s10, s7, $0x38;
	[tilespmem:$0x19000] =	vst v63  }
0x189: {  	_ = 	snop  }
0x18a: {  	[hbm4b:s21+s7] =	stream.strided.scatter [tilespmem:s2], [sflag:$0x3], $0xC000, s10, s7, $0x38;
	[tilespmem:$0x19000] =	vst v63  }
0x18b: {  	_ =	swait.ge [sflag:s20], $0xC000  }
0x18c: {  	[sflag:s20] =	ssyncset.done $0x0  }
0x18d: {  	[sflag:s20] =	ssyncadd.s32 $0xFFFF4000  }
0x18e: {  	_ =	swait.ge [sflag:s5], $0xC000  }
0x18f: {  	[sflag:s5] =	ssyncset.done $0x0  }
0x190: {  	[sflag:s5] =	ssyncadd.s32 $0xFFFF4000  }
0x191: {  	[tilespmem:s2], [sflag:$0x1] =	stream.strided.gather [hbm4b:s17+s7], $0xC000, s10, s7, $0x38;
	[tilespmem:$0x19000] =	vst v63  }
0x192: {  	_ = 	snop  }
0x193: {  	[hbm4b:s18+s7] =	stream.strided.scatter [tilespmem:s14], [sflag:$0x4], $0xC000, s10, s7, $0x38;
	[tilespmem:$0x19000] =	vst v63  }
0x194: {  	_ =	swait.ge [sflag:s13], $0xC000  }
0x195: {  	[sflag:s13] =	ssyncset.done $0x0  }
0x196: {  	[sflag:s13] =	ssyncadd.s32 $0xFFFF4000  }
0x197: {  	_ =	swait.ge [sflag:s15], $0xC000  }
0x198: {  	[sflag:s15] =	ssyncset.done $0x0  }
0x199: {  	[sflag:s15] =	ssyncadd.s32 $0xFFFF4000  }
0x19a: {  	[tilespmem:s14], [sflag:$0x2] =	stream.strided.gather [hbm4b:s12+s7], $0xC000, s10, s7, $0x38;
	[tilespmem:$0x19000] =	vst v63  }
0x19b: {  	_ = 	snop  }
0x19c: {  	[hbm4b:s16+s7] =	stream.strided.scatter [tilespmem:s2], [sflag:$0x3], $0xC000, s10, s7, $0x38;
	[tilespmem:$0x19000] =	vst v63  }
0x19d: {  	_ =	swait.ge [sflag:s20], $0xC000  }
0x19e: {  	[sflag:s20] =	ssyncset.done $0x0  }
0x19f: {  	[sflag:s20] =	ssyncadd.s32 $0xFFFF4000  }
0x1a0: {  	_ =	swait.ge [sflag:s5], $0xC000  }
0x1a1: {  	[sflag:s5] =	ssyncset.done $0x0  }
0x1a2: {  	[sflag:s5] =	ssyncadd.s32 $0xFFFF4000  }
0x1a3: {  	[tilespmem:s2], [sflag:$0x1] =	stream.strided.gather [hbm4b:s9+s7], $0xC000, s10, s7, $0x38;
	[tilespmem:$0x19000] =	vst v63  }
0x1a4: {  	_ = 	snop  }
0x1a5: {  	[hbm4b:s11+s7] =	stream.strided.scatter [tilespmem:s14], [sflag:$0x4], $0xC000, s10, s7, $0x38;
	[tilespmem:$0x19000] =	vst v63  }
0x1a6: {  	_ =	swait.ge [sflag:s13], $0xC000  }
0x1a7: {  	[sflag:s13] =	ssyncset.done $0x0  }
0x1a8: {  	[sflag:s13] =	ssyncadd.s32 $0xFFFF4000  }
0x1a9: {  	_ =	swait.ge [sflag:s15], $0xC000  }
0x1aa: {  	[sflag:s15] =	ssyncset.done $0x0  }
0x1ab: {  	[sflag:s15] =	ssyncadd.s32 $0xFFFF4000  }
0x1ac: {  	[hbm4b:s8+s7] =	stream.strided.scatter [tilespmem:s2], [sflag:$0x3], $0xC000, s10, s7, $0x38;
	[tilespmem:$0x19000] =	vst v63  }
0x1ad: {  	s0 =	simm.s32 @!p0 $0x400  }
0x1ae: {  	[tilespmem:s31], [sflag:$0x5] =	stream.strided.gather @!p0 [hbm4b:s6+s0], $0x1000, s29, s0, $0x38;
	[tilespmem:$0x19000] =	vst v63  }
0x1af: {  	_ =	swait.ge @!p0 [sflag:s28], $0x1000  }
0x1b0: {  	s1 =	sadd.s32 $0xFFFFFFFF, s1;
	[sflag:s28] =	ssyncset.done @!p0 $0x0  }
0x1b1: {  	p2 =	sne.s32 s1, $0x0;
	[sflag:s28] =	ssyncadd.s32 @!p0 $0xFFFFF000  }
0x1b2: {  	[hbm4b:s4+s0] =	stream.strided.scatter @!p0 [tilespmem:s31], [sflag:$0x5], $0x1000, s29, s0, $0x38;
	[tilespmem:$0x19000] =	vst v63  }
.Ltmp2:
0x1b3: {  	_ =	swait.ge @!p0 [sflag:s28], $0x1000;
	(pc) =	sbr.rel @p2 .LBB2_4-.Ltmp2, $4  }
0x1b4: {  	[sflag:s28] =	ssyncset.done @!p0 $0x0  }
0x1b5: {  	[sflag:s28] =	ssyncadd.s32 @!p0 $0xFFFFF000  }
0x1b6: {  	_ =	swait.ge [sflag:s5], $0xC000  }
0x1b7: {  	s3 =	smov.u32 s4;
	s0 =	rddreg [dreg:$0x3];
	[sflag:s5] =	ssyncset.done $0x0  }
0x1b8: {  	s28 =	stileid.u32;
	s29 =	rddreg [dreg:$0x2]  }
.LBB2_6:
0x1b9: {  	[sflag:s5] =	ssyncadd.s32 @p1 $0xFFFF4000  }
0x1ba: {  	[tilespmem:s2], [sflag:$0x1] =	stream.strided.gather [hbm4b:s0+s7], $0xC000, s10, s7, $0x38;
	[tilespmem:$0x19000] =	vst v63  }
0x1bb: {  	_ =	swait.ge [sflag:s13], $0xC000  }
0x1bc: {  	[sflag:s13] =	ssyncset.done $0x0  }
0x1bd: {  	s31 =	rddreg [dreg:$0x4];
	[sflag:s13] =	ssyncadd.s32 $0xFFFF4000  }
0x1be: {  	[tilespmem:s14], [sflag:$0x2] =	stream.strided.gather [hbm4b:s31+s7], $0xC000, s10, s7, $0x38;
	[tilespmem:$0x19000] =	vst v63  }
0x1bf: {  	s1 =	rddreg [dreg:$0x5]  }
0x1c0: {  	[hbm4b:s1+s7] =	stream.strided.scatter [tilespmem:s2], [sflag:$0x3], $0xC000, s10, s7, $0x38;
	[tilespmem:$0x19000] =	vst v63  }
0x1c1: {  	_ =	swait.ge [sflag:s20], $0xC000  }
0x1c2: {  	[sflag:s20] =	ssyncset.done $0x0  }
0x1c3: {  	[sflag:s20] =	ssyncadd.s32 $0xFFFF4000  }
0x1c4: {  	_ =	swait.ge [sflag:s5], $0xC000  }
0x1c5: {  	[sflag:s5] =	ssyncset.done $0x0  }
0x1c6: {  	s3 =	rddreg [dreg:$0x6];
	[sflag:s5] =	ssyncadd.s32 $0xFFFF4000  }
0x1c7: {  	[tilespmem:s2], [sflag:$0x1] =	stream.strided.gather [hbm4b:s3+s7], $0xC000, s10, s7, $0x38;
	[tilespmem:$0x19000] =	vst v63  }
0x1c8: {  	s31 =	rddreg [dreg:$0x7]  }
0x1c9: {  	[hbm4b:s31+s7] =	stream.strided.scatter [tilespmem:s14], [sflag:$0x4], $0xC000, s10, s7, $0x38;
	[tilespmem:$0x19000] =	vst v63  }
0x1ca: {  	_ =	swait.ge [sflag:s13], $0xC000  }
0x1cb: {  	[sflag:s13] =	ssyncset.done $0x0  }
0x1cc: {  	[sflag:s13] =	ssyncadd.s32 $0xFFFF4000  }
0x1cd: {  	_ =	swait.ge [sflag:s15], $0xC000  }
0x1ce: {  	[sflag:s15] =	ssyncset.done $0x0  }
0x1cf: {  	s3 =	rddreg [dreg:$0x8];
	[sflag:s15] =	ssyncadd.s32 $0xFFFF4000  }
0x1d0: {  	[tilespmem:s14], [sflag:$0x2] =	stream.strided.gather [hbm4b:s3+s7], $0xC000, s10, s7, $0x38;
	[tilespmem:$0x19000] =	vst v63  }
0x1d1: {  	s31 =	rddreg [dreg:$0x9]  }
0x1d2: {  	[hbm4b:s31+s7] =	stream.strided.scatter [tilespmem:s2], [sflag:$0x3], $0xC000, s10, s7, $0x38;
	[tilespmem:$0x19000] =	vst v63  }
0x1d3: {  	_ =	swait.ge [sflag:s20], $0xC000  }
0x1d4: {  	[sflag:s20] =	ssyncset.done $0x0  }
0x1d5: {  	[sflag:s20] =	ssyncadd.s32 $0xFFFF4000  }
0x1d6: {  	_ =	swait.ge [sflag:s5], $0xC000  }
0x1d7: {  	[sflag:s5] =	ssyncset.done $0x0  }
0x1d8: {  	s3 =	rddreg [dreg:$0xa];
	[sflag:s5] =	ssyncadd.s32 $0xFFFF4000  }
0x1d9: {  	[tilespmem:s2], [sflag:$0x1] =	stream.strided.gather [hbm4b:s3+s7], $0xC000, s10, s7, $0x38;
	[tilespmem:$0x19000] =	vst v63  }
0x1da: {  	s31 =	rddreg [dreg:$0xb]  }
0x1db: {  	[hbm4b:s31+s7] =	stream.strided.scatter [tilespmem:s14], [sflag:$0x4], $0xC000, s10, s7, $0x38;
	[tilespmem:$0x19000] =	vst v63  }
0x1dc: {  	_ =	swait.ge [sflag:s13], $0xC000  }
0x1dd: {  	[sflag:s13] =	ssyncset.done $0x0  }
0x1de: {  	[sflag:s13] =	ssyncadd.s32 $0xFFFF4000  }
0x1df: {  	_ =	swait.ge [sflag:s15], $0xC000  }
0x1e0: {  	[sflag:s15] =	ssyncset.done $0x0  }
0x1e1: {  	s3 =	rddreg [dreg:$0xc];
	[sflag:s15] =	ssyncadd.s32 $0xFFFF4000  }
0x1e2: {  	[tilespmem:s14], [sflag:$0x2] =	stream.strided.gather [hbm4b:s3+s7], $0xC000, s10, s7, $0x38;
	[tilespmem:$0x19000] =	vst v63  }
0x1e3: {  	s31 =	rddreg [dreg:$0xd]  }
0x1e4: {  	[hbm4b:s31+s7] =	stream.strided.scatter [tilespmem:s2], [sflag:$0x3], $0xC000, s10, s7, $0x38;
	[tilespmem:$0x19000] =	vst v63  }
0x1e5: {  	_ =	swait.ge [sflag:s20], $0xC000  }
0x1e6: {  	[sflag:s20] =	ssyncset.done $0x0  }
0x1e7: {  	[sflag:s20] =	ssyncadd.s32 $0xFFFF4000  }
0x1e8: {  	_ =	swait.ge [sflag:s5], $0xC000  }
0x1e9: {  	[sflag:s5] =	ssyncset.done $0x0  }
0x1ea: {  	s3 =	rddreg [dreg:$0xe];
	[sflag:s5] =	ssyncadd.s32 $0xFFFF4000  }
0x1eb: {  	[tilespmem:s2], [sflag:$0x1] =	stream.strided.gather [hbm4b:s3+s7], $0xC000, s10, s7, $0x38;
	[tilespmem:$0x19000] =	vst v63  }
0x1ec: {  	s31 =	rddreg [dreg:$0xf]  }
0x1ed: {  	[hbm4b:s31+s7] =	stream.strided.scatter [tilespmem:s14], [sflag:$0x4], $0xC000, s10, s7, $0x38;
	[tilespmem:$0x19000] =	vst v63  }
0x1ee: {  	_ =	swait.ge [sflag:s13], $0xC000  }
0x1ef: {  	[sflag:s13] =	ssyncset.done $0x0  }
0x1f0: {  	[sflag:s13] =	ssyncadd.s32 $0xFFFF4000  }
0x1f1: {  	_ =	swait.ge [sflag:s15], $0xC000  }
0x1f2: {  	[sflag:s15] =	ssyncset.done $0x0  }
0x1f3: {  	s3 =	rddreg [dreg:$0x10];
	[sflag:s15] =	ssyncadd.s32 $0xFFFF4000  }
0x1f4: {  	[tilespmem:s14], [sflag:$0x2] =	stream.strided.gather [hbm4b:s3+s7], $0xC000, s10, s7, $0x38;
	[tilespmem:$0x19000] =	vst v63  }
0x1f5: {  	s31 =	rddreg [dreg:$0x11]  }
0x1f6: {  	[hbm4b:s31+s7] =	stream.strided.scatter [tilespmem:s2], [sflag:$0x3], $0xC000, s10, s7, $0x38;
	[tilespmem:$0x19000] =	vst v63  }
0x1f7: {  	_ =	swait.ge [sflag:s20], $0xC000  }
0x1f8: {  	[sflag:s20] =	ssyncset.done $0x0  }
0x1f9: {  	[sflag:s20] =	ssyncadd.s32 $0xFFFF4000  }
0x1fa: {  	_ =	swait.ge [sflag:s5], $0xC000  }
0x1fb: {  	[sflag:s5] =	ssyncset.done $0x0  }
0x1fc: {  	s3 =	rddreg [dreg:$0x12];
	[sflag:s5] =	ssyncadd.s32 $0xFFFF4000  }
0x1fd: {  	[tilespmem:s2], [sflag:$0x1] =	stream.strided.gather [hbm4b:s3+s7], $0xC000, s10, s7, $0x38;
	[tilespmem:$0x19000] =	vst v63  }
0x1fe: {  	s31 =	rddreg [dreg:$0x13]  }
0x1ff: {  	[hbm4b:s31+s7] =	stream.strided.scatter [tilespmem:s14], [sflag:$0x4], $0xC000, s10, s7, $0x38;
	[tilespmem:$0x19000] =	vst v63  }
0x200: {  	_ =	swait.ge [sflag:s13], $0xC000  }
0x201: {  	[sflag:s13] =	ssyncset.done $0x0  }
0x202: {  	[sflag:s13] =	ssyncadd.s32 $0xFFFF4000  }
0x203: {  	_ =	swait.ge [sflag:s15], $0xC000  }
0x204: {  	[sflag:s15] =	ssyncset.done $0x0  }
0x205: {  	s3 =	rddreg [dreg:$0x14];
	[sflag:s15] =	ssyncadd.s32 $0xFFFF4000  }
0x206: {  	[tilespmem:s14], [sflag:$0x2] =	stream.strided.gather [hbm4b:s3+s7], $0xC000, s10, s7, $0x38;
	[tilespmem:$0x19000] =	vst v63  }
0x207: {  	s31 =	rddreg [dreg:$0x15]  }
0x208: {  	[hbm4b:s31+s7] =	stream.strided.scatter [tilespmem:s2], [sflag:$0x3], $0xC000, s10, s7, $0x38;
	[tilespmem:$0x19000] =	vst v63  }
0x209: {  	_ =	swait.ge [sflag:s20], $0xC000  }
0x20a: {  	[sflag:s20] =	ssyncset.done $0x0  }
0x20b: {  	[sflag:s20] =	ssyncadd.s32 $0xFFFF4000  }
0x20c: {  	_ =	swait.ge [sflag:s5], $0xC000  }
0x20d: {  	[sflag:s5] =	ssyncset.done $0x0  }
0x20e: {  	s3 =	rddreg [dreg:$0x16];
	[sflag:s5] =	ssyncadd.s32 $0xFFFF4000  }
0x20f: {  	[tilespmem:s2], [sflag:$0x1] =	stream.strided.gather [hbm4b:s3+s7], $0xC000, s10, s7, $0x38;
	[tilespmem:$0x19000] =	vst v63  }
0x210: {  	s31 =	rddreg [dreg:$0x17]  }
0x211: {  	[hbm4b:s31+s7] =	stream.strided.scatter [tilespmem:s14], [sflag:$0x4], $0xC000, s10, s7, $0x38;
	[tilespmem:$0x19000] =	vst v63  }
0x212: {  	_ =	swait.ge [sflag:s13], $0xC000  }
0x213: {  	[sflag:s13] =	ssyncset.done $0x0  }
0x214: {  	[sflag:s13] =	ssyncadd.s32 $0xFFFF4000  }
0x215: {  	_ =	swait.ge [sflag:s15], $0xC000  }
0x216: {  	[sflag:s15] =	ssyncset.done $0x0  }
0x217: {  	s3 =	rddreg [dreg:$0x18];
	[sflag:s15] =	ssyncadd.s32 $0xFFFF4000  }
0x218: {  	[tilespmem:s14], [sflag:$0x2] =	stream.strided.gather [hbm4b:s3+s7], $0xC000, s10, s7, $0x38;
	[tilespmem:$0x19000] =	vst v63  }
0x219: {  	s31 =	rddreg [dreg:$0x19]  }
0x21a: {  	[hbm4b:s31+s7] =	stream.strided.scatter [tilespmem:s2], [sflag:$0x3], $0xC000, s10, s7, $0x38;
	[tilespmem:$0x19000] =	vst v63  }
0x21b: {  	_ =	swait.ge [sflag:s20], $0xC000  }
0x21c: {  	[sflag:s20] =	ssyncset.done $0x0  }
0x21d: {  	[sflag:s20] =	ssyncadd.s32 $0xFFFF4000  }
0x21e: {  	_ =	swait.ge [sflag:s5], $0xC000  }
0x21f: {  	[sflag:s5] =	ssyncset.done $0x0  }
0x220: {  	s3 =	rddreg [dreg:$0x1a];
	[sflag:s5] =	ssyncadd.s32 $0xFFFF4000  }
0x221: {  	[tilespmem:s2], [sflag:$0x1] =	stream.strided.gather [hbm4b:s3+s7], $0xC000, s10, s7, $0x38;
	[tilespmem:$0x19000] =	vst v63  }
0x222: {  	s31 =	rddreg [dreg:$0x1b]  }
0x223: {  	[hbm4b:s31+s7] =	stream.strided.scatter [tilespmem:s14], [sflag:$0x4], $0xC000, s10, s7, $0x38;
	[tilespmem:$0x19000] =	vst v63  }
0x224: {  	_ =	swait.ge [sflag:s13], $0xC000  }
0x225: {  	[sflag:s13] =	ssyncset.done $0x0  }
0x226: {  	[sflag:s13] =	ssyncadd.s32 $0xFFFF4000  }
0x227: {  	_ =	swait.ge [sflag:s15], $0xC000  }
0x228: {  	[sflag:s15] =	ssyncset.done $0x0  }
0x229: {  	s3 =	rddreg [dreg:$0x1c];
	[sflag:s15] =	ssyncadd.s32 $0xFFFF4000  }
0x22a: {  	[tilespmem:s14], [sflag:$0x2] =	stream.strided.gather [hbm4b:s3+s7], $0xC000, s10, s7, $0x38;
	[tilespmem:$0x19000] =	vst v63  }
0x22b: {  	s31 =	rddreg [dreg:$0x1d]  }
0x22c: {  	[hbm4b:s31+s7] =	stream.strided.scatter [tilespmem:s2], [sflag:$0x3], $0xC000, s10, s7, $0x38;
	[tilespmem:$0x19000] =	vst v63  }
0x22d: {  	_ =	swait.ge [sflag:s20], $0xC000  }
0x22e: {  	[sflag:s20] =	ssyncset.done $0x0  }
0x22f: {  	[sflag:s20] =	ssyncadd.s32 $0xFFFF4000  }
0x230: {  	_ =	swait.ge [sflag:s5], $0xC000  }
0x231: {  	[sflag:s5] =	ssyncset.done $0x0  }
0x232: {  	[sflag:s5] =	ssyncadd.s32 $0xFFFF4000  }
0x233: {  	[tilespmem:s2], [sflag:$0x1] =	stream.strided.gather [hbm4b:s26+s7], $0xC000, s10, s7, $0x38;
	[tilespmem:$0x19000] =	vst v63  }
0x234: {  	_ = 	snop  }
0x235: {  	[hbm4b:s30+s7] =	stream.strided.scatter [tilespmem:s14], [sflag:$0x4], $0xC000, s10, s7, $0x38;
	[tilespmem:$0x19000] =	vst v63  }
0x236: {  	_ =	swait.ge [sflag:s13], $0xC000  }
0x237: {  	[sflag:s13] =	ssyncset.done $0x0  }
0x238: {  	[sflag:s13] =	ssyncadd.s32 $0xFFFF4000  }
0x239: {  	_ =	swait.ge [sflag:s15], $0xC000  }
0x23a: {  	[sflag:s15] =	ssyncset.done $0x0  }
0x23b: {  	[sflag:s15] =	ssyncadd.s32 $0xFFFF4000  }
0x23c: {  	[tilespmem:s14], [sflag:$0x2] =	stream.strided.gather [hbm4b:s24+s7], $0xC000, s10, s7, $0x38;
	[tilespmem:$0x19000] =	vst v63  }
0x23d: {  	_ = 	snop  }
0x23e: {  	[hbm4b:s25+s7] =	stream.strided.scatter [tilespmem:s2], [sflag:$0x3], $0xC000, s10, s7, $0x38;
	[tilespmem:$0x19000] =	vst v63  }
0x23f: {  	_ =	swait.ge [sflag:s20], $0xC000  }
0x240: {  	[sflag:s20] =	ssyncset.done $0x0  }
0x241: {  	[sflag:s20] =	ssyncadd.s32 $0xFFFF4000  }
0x242: {  	_ =	swait.ge [sflag:s5], $0xC000  }
0x243: {  	[sflag:s5] =	ssyncset.done $0x0  }
0x244: {  	[sflag:s5] =	ssyncadd.s32 $0xFFFF4000  }
0x245: {  	[tilespmem:s2], [sflag:$0x1] =	stream.strided.gather [hbm4b:s22+s7], $0xC000, s10, s7, $0x38;
	[tilespmem:$0x19000] =	vst v63  }
0x246: {  	_ = 	snop  }
0x247: {  	[hbm4b:s23+s7] =	stream.strided.scatter [tilespmem:s14], [sflag:$0x4], $0xC000, s10, s7, $0x38;
	[tilespmem:$0x19000] =	vst v63  }
0x248: {  	_ =	swait.ge [sflag:s13], $0xC000  }
0x249: {  	[sflag:s13] =	ssyncset.done $0x0  }
0x24a: {  	[sflag:s13] =	ssyncadd.s32 $0xFFFF4000  }
0x24b: {  	_ =	swait.ge [sflag:s15], $0xC000  }
0x24c: {  	[sflag:s15] =	ssyncset.done $0x0  }
0x24d: {  	[sflag:s15] =	ssyncadd.s32 $0xFFFF4000  }
0x24e: {  	[tilespmem:s14], [sflag:$0x2] =	stream.strided.gather [hbm4b:s19+s7], $0xC000, s10, s7, $0x38;
	[tilespmem:$0x19000] =	vst v63  }
0x24f: {  	_ = 	snop  }
0x250: {  	[hbm4b:s21+s7] =	stream.strided.scatter [tilespmem:s2], [sflag:$0x3], $0xC000, s10, s7, $0x38;
	[tilespmem:$0x19000] =	vst v63  }
0x251: {  	_ =	swait.ge [sflag:s20], $0xC000  }
0x252: {  	[sflag:s20] =	ssyncset.done $0x0  }
0x253: {  	[sflag:s20] =	ssyncadd.s32 $0xFFFF4000  }
0x254: {  	_ =	swait.ge [sflag:s5], $0xC000  }
0x255: {  	[sflag:s5] =	ssyncset.done $0x0  }
0x256: {  	[sflag:s5] =	ssyncadd.s32 $0xFFFF4000  }
0x257: {  	[tilespmem:s2], [sflag:$0x1] =	stream.strided.gather [hbm4b:s17+s7], $0xC000, s10, s7, $0x38;
	[tilespmem:$0x19000] =	vst v63  }
0x258: {  	_ = 	snop  }
0x259: {  	[hbm4b:s18+s7] =	stream.strided.scatter [tilespmem:s14], [sflag:$0x4], $0xC000, s10, s7, $0x38;
	[tilespmem:$0x19000] =	vst v63  }
0x25a: {  	_ =	swait.ge [sflag:s13], $0xC000  }
0x25b: {  	[sflag:s13] =	ssyncset.done $0x0  }
0x25c: {  	[sflag:s13] =	ssyncadd.s32 $0xFFFF4000  }
0x25d: {  	_ =	swait.ge [sflag:s15], $0xC000  }
0x25e: {  	[sflag:s15] =	ssyncset.done $0x0  }
0x25f: {  	[sflag:s15] =	ssyncadd.s32 $0xFFFF4000  }
0x260: {  	[tilespmem:s14], [sflag:$0x2] =	stream.strided.gather [hbm4b:s12+s7], $0xC000, s10, s7, $0x38;
	[tilespmem:$0x19000] =	vst v63  }
0x261: {  	_ = 	snop  }
0x262: {  	[hbm4b:s16+s7] =	stream.strided.scatter [tilespmem:s2], [sflag:$0x3], $0xC000, s10, s7, $0x38;
	[tilespmem:$0x19000] =	vst v63  }
0x263: {  	_ =	swait.ge [sflag:s20], $0xC000  }
0x264: {  	[sflag:s20] =	ssyncset.done $0x0  }
0x265: {  	[sflag:s20] =	ssyncadd.s32 $0xFFFF4000  }
0x266: {  	_ =	swait.ge [sflag:s5], $0xC000  }
0x267: {  	[sflag:s5] =	ssyncset.done $0x0  }
0x268: {  	[sflag:s5] =	ssyncadd.s32 $0xFFFF4000  }
0x269: {  	[tilespmem:s2], [sflag:$0x1] =	stream.strided.gather [hbm4b:s9+s7], $0xC000, s10, s7, $0x38;
	[tilespmem:$0x19000] =	vst v63  }
0x26a: {  	_ = 	snop  }
0x26b: {  	[hbm4b:s11+s7] =	stream.strided.scatter [tilespmem:s14], [sflag:$0x4], $0xC000, s10, s7, $0x38;
	[tilespmem:$0x19000] =	vst v63  }
0x26c: {  	_ =	swait.ge [sflag:s13], $0xC000  }
0x26d: {  	[sflag:s13] =	ssyncset.done $0x0  }
0x26e: {  	[sflag:s13] =	ssyncadd.s32 $0xFFFF4000  }
0x26f: {  	_ =	swait.ge [sflag:s15], $0xC000  }
0x270: {  	[sflag:s15] =	ssyncset.done $0x0  }
0x271: {  	s0 =	simm.s32 @!p0 $0x400;
	[sflag:s15] =	ssyncadd.s32 $0xFFFF4000  }
0x272: {  	[hbm4b:s8+s7] =	stream.strided.scatter [tilespmem:s2], [sflag:$0x3], $0xC000, s10, s7, $0x38;
	[tilespmem:$0x19000] =	vst v63  }
0x273: {  	s1 =	simm.s32 @!p0 $0x7A1400;
	s3 =	simm.s32 @!p0 $0x5;
	s2 =	simm.s32 @!p0 $0x18000  }
0x274: {  	[tilespmem:s2], [sflag:$0x5] =	stream.strided.gather @!p0 [hbm4b:s6+s0], $0x1000, s1, s0, $0x38;
	[tilespmem:$0x19000] =	vst v63  }
0x275: {  	_ =	swait.ge @!p0 [sflag:s3], $0x1000  }
0x276: {  	[sflag:s3] =	ssyncset.done @!p0 $0x0  }
0x277: {  	[sflag:s3] =	ssyncadd.s32 @!p0 $0xFFFFF000  }
0x278: {  	[hbm4b:s4+s0] =	stream.strided.scatter @!p0 [tilespmem:s2], [sflag:$0x5], $0x1000, s1, s0, $0x38;
	[tilespmem:$0x19000] =	vst v63  }
0x279: {  	_ =	swait.ge @!p0 [sflag:s3], $0x1000  }
0x27a: {  	[sflag:s3] =	ssyncset.done @!p0 $0x0  }
0x27b: {  	[sflag:s3] =	ssyncadd.s32 @!p0 $0xFFFFF000  }
0x27c: {  	_ =	swait.ge [sflag:s5], $0xC000  }
0x27d: {  	[sflag:s5] =	ssyncset.done $0x0  }
0x27e: {  	[sflag:s5] =	ssyncadd.s32 $0xFFFF4000  }
0x27f: {  	_ =	sfence.sel $0x180000  }
0x280: {  	[bflag:$0x0] =	sbarrier.arrive $0xFFFF  }
0x281: {  	p0 =	sne.s32 s28, $0x0;
	_ =	strace $0x90000047  }
0x282: {  	s0 =	sadd.s32 @!p0 $0x100000, s29;
	[bflag:$0x2] =	sbarrier.arrive $0xFFFF  }
0x283: {  	[sflag:s0] =	ssyncadd.tile.s32 @!p0 $0x1;
	_ =	shalt  }
.LBB2_1:
.Ltmp3:
0x284: {  	(pc) =	sbr.rel .LBB2_6-.Ltmp3, $2  }
0x285: {  	_ =	sdelay $0x2  }
0x286: {  	s4 =	smov.u32 s3  }
.LBB2_3:
.Ltmp4:
0x287: {  	(pc) =	sbr.rel .LBB2_6-.Ltmp4, $2  }
0x288: {  	_ =	sdelay $0x2  }
0x289: {  	s4 =	smov.u32 s3;
	s28 =	stileid.u32;
	s29 =	rddreg [dreg:$0x2]  }
.Lfunc_end2:
_tile_overlayer_lowered:
.L_overlay_start_2:
0x28a: {  	(tag) =	ssettag $0x2  }
0x28b: {  	s0 =	rddreg [dreg:$0x0];
	s2 =	stileid.u32  }
0x28c: {  	s1 =	rddreg [dreg:$0x1];
	p0 =	sne.s32 s2, $0x0  }
0x28d: {  	s3 =	rddreg [dreg:$0x2];
	[bflag:$0x3] =	sbarrier.arrive $0xFFFF;
	s2 =	simm.s32 @!p0 $0x1C06  }
0x28e: {  	[timem:s3], [sflag:s2] =	dma.local @!p0 [hbm:s0], s1  }
0x28f: {  	s0 =	simm.s32 @!p0 $0x6  }
0x290: {  	_ =	swait.ge @!p0 [sflag:s0], s1  }
0x291: {  	s1 =	ssub.s32 @!p0 $0x0, s1;
	[sflag:s0] =	ssyncset.done @!p0 $0x0  }
0x292: {  	[sflag:s0] =	ssyncadd.s32 @!p0 s1  }
0x293: {  	[bflag:$0x3] =	sbarrier.arrive $0xFFFF  }
0x294: {  	_ =	shalt  }

</sc_bundles>
